<compile_context>
chip_gen: v7x
topology: tpu7x:2x2x1
jax: 0.10.2.dev20260603
libtpu: 0.0.44.dev20260713+nightly
codegen_flags: <defaults>
</compile_context>

<pallas_src>
import functools

import jax
import jax.numpy as jnp
from jax import lax
from jax.experimental import pallas as pl
from jax.experimental.pallas import tpu as pltpu
from jax.experimental.pallas import tpu_sc as plsc

N_NODES = 100000
D_FEAT = 128
N_GRAPHS = 1024
N_MOTIFS = 8192
NC, NS = 2, 16
NW = NC * NS
CHUNK = 128
N_FULL = N_NODES // CHUNK
TAIL = N_NODES - N_FULL * CHUNK
N_CH = N_FULL + 1
TOT = N_MOTIFS + N_GRAPHS
MROWS = N_MOTIFS // NS
GROWS = N_GRAPHS // NS
L = 16


def _sc_segment_sums(node, mids, gids, zrow, zflat):
  mesh = plsc.VectorSubcoreMesh(
      core_axis_name="c", subcore_axis_name="s",
      num_cores=NC, num_subcores=NS)

  @functools.partial(
      pl.kernel,
      out_type=[
          jax.ShapeDtypeStruct((NC, TOT, D_FEAT), jnp.float32),
          jax.ShapeDtypeStruct((NW, TOT), jnp.float32),
      ],
      mesh=mesh,
      compiler_params=pltpu.CompilerParams(needs_layout_passes=False),
      scratch_types=[
          pltpu.VMEM((CHUNK, D_FEAT), jnp.float32),
          pltpu.VMEM((CHUNK, D_FEAT), jnp.float32),
          pltpu.VMEM((TAIL, D_FEAT), jnp.float32),
          pltpu.VMEM((CHUNK,), jnp.int32),
          pltpu.VMEM((CHUNK,), jnp.int32),
          pltpu.VMEM((CHUNK,), jnp.int32),
          pltpu.VMEM((CHUNK,), jnp.int32),
          pltpu.VMEM((TAIL,), jnp.int32),
          pltpu.VMEM((TAIL,), jnp.int32),
          pltpu.VMEM((TOT,), jnp.float32),
          pltpu.VMEM_SHARED((N_MOTIFS, D_FEAT), jnp.float32),
          pltpu.VMEM_SHARED((N_GRAPHS, D_FEAT), jnp.float32),
          pltpu.SemaphoreType.DMA,
          pltpu.SemaphoreType.DMA,
          pltpu.SemaphoreType.DMA,
          pltpu.SemaphoreType.DMA,
      ],
  )
  def seg_kernel(node_hbm, mid_hbm, gid_hbm, zrow_hbm, zflat_hbm,
                 sums_out, cnts_out,
                 rowbuf0, rowbuf1, rowbuf_t, midbuf0, midbuf1,
                 gidbuf0, gidbuf1, midbuf_t, gidbuf_t,
                 hist, macc, gacc, sem_g0, sem_g1, sem_s0, sem_s1):
    cid = lax.axis_index("c")
    sid = lax.axis_index("s")
    wid = cid * NS + sid
    slots = ((rowbuf0, midbuf0, gidbuf0, sem_g0, sem_s0),
             (rowbuf1, midbuf1, gidbuf1, sem_g1, sem_s1))

    c0 = (N_CH * wid) // NW
    c1 = (N_CH * (wid + 1)) // NW
    fe = jnp.minimum(c1, N_FULL)
    ones16 = jnp.ones((L,), jnp.float32)

    def count_ids(mb, gb, n):
      for j in range(n // L):
        plsc.addupdate_scatter(hist, [mb[pl.ds(j * L, L)]], ones16)
        plsc.addupdate_scatter(hist, [gb[pl.ds(j * L, L)] + N_MOTIFS], ones16)

    def gather_descs(c, slot):
      rb, mb, gb, sg, _ = slots[slot]
      base = c * CHUNK
      return (pltpu.make_async_copy(node_hbm.at[pl.ds(base, CHUNK)], rb, sg),
              pltpu.make_async_copy(mid_hbm.at[pl.ds(base, CHUNK)], mb, sg),
              pltpu.make_async_copy(gid_hbm.at[pl.ds(base, CHUNK)], gb, sg))

    def scatter_descs(slot):
      rb, mb, gb, _, ss = slots[slot]
      return (pltpu.async_copy(rb, macc.at[mb], ss, add=True),
              pltpu.async_copy(rb, gacc.at[gb], ss, add=True))

    def issue_gathers(c, slot):
      for d in gather_descs(c, slot):
        d.start()

    def wait_gathers(c, slot):
      for d in gather_descs(c, slot):
        d.wait()

    def wait_scatters(slot):
      rb, mb, gb, _, ss = slots[slot]
      pltpu.make_async_copy(rb, macc.at[mb], ss).wait()
      pltpu.make_async_copy(rb, gacc.at[gb], ss).wait()

    issue_gathers(c0, 0)
    pltpu.sync_copy(zrow_hbm, macc.at[pl.ds(sid * MROWS, MROWS)])
    pltpu.sync_copy(zrow_hbm.at[pl.ds(0, GROWS)],
                    gacc.at[pl.ds(sid * GROWS, GROWS)])
    pltpu.sync_copy(zflat_hbm, hist)
    plsc.subcore_barrier()

    def step(i, cur, nxt):
      @pl.when(i + 1 < fe)
      def _prefetch():
        @pl.when(i - 1 >= c0)
        def _():
          wait_scatters(nxt)
        issue_gathers(i + 1, nxt)
      wait_gathers(i, cur)
      rb, mb, gb, _, _ = slots[cur]
      count_ids(mb, gb, CHUNK)
      scatter_descs(cur)

    def body(i, carry):
      parity = (i - c0) % 2

      @pl.when(parity == 0)
      def _even():
        step(i, 0, 1)

      @pl.when(parity == 1)
      def _odd():
        step(i, 1, 0)
      return carry

    lax.fori_loop(c0, fe, body, 0)
    wait_scatters(0)
    wait_scatters(1)

    @pl.when(wid == NW - 1)
    def _tail():
      base = N_FULL * CHUNK
      pltpu.sync_copy(node_hbm.at[pl.ds(base, TAIL)], rowbuf_t)
      pltpu.sync_copy(mid_hbm.at[pl.ds(base, TAIL)], midbuf_t)
      pltpu.sync_copy(gid_hbm.at[pl.ds(base, TAIL)], gidbuf_t)
      pltpu.sync_copy(rowbuf_t, macc.at[midbuf_t], add=True)
      pltpu.sync_copy(rowbuf_t, gacc.at[gidbuf_t], add=True)
      count_ids(midbuf_t, gidbuf_t, TAIL)

    plsc.subcore_barrier()

    pltpu.sync_copy(macc.at[pl.ds(sid * MROWS, MROWS)],
                    sums_out.at[cid, pl.ds(sid * MROWS, MROWS)])
    pltpu.sync_copy(gacc.at[pl.ds(sid * GROWS, GROWS)],
                    sums_out.at[cid, pl.ds(N_MOTIFS + sid * GROWS, GROWS)])
    pltpu.sync_copy(hist, cnts_out.at[wid])

  return seg_kernel(node, mids, gids, zrow, zflat)


BLK = 4608


def _tc_head(sums, cnts, W1, b1, W2, b2, W3, b3):
  def body(sums_ref, cnts_ref, w1, bb1, w2, bb2, w3, bb3, mean_out, out_out):
    s = sums_ref[0] + sums_ref[1]
    c = jnp.sum(cnts_ref[...], axis=0)
    mean = s / jnp.maximum(c, 1.0)[:, None]
    mean_out[...] = mean
    feats = jnp.dot(mean, w1[...], preferred_element_type=jnp.float32) + bb1[...]
    h = jnp.maximum(
        jnp.dot(feats, w2[...], preferred_element_type=jnp.float32) + bb2[...],
        0.0)
    out_out[...] = (
        jnp.dot(h, w3[...], preferred_element_type=jnp.float32) + bb3[...])

  grid = (TOT // BLK,)
  return pl.pallas_call(
      body,
      grid=grid,
      in_specs=[
          pl.BlockSpec((NC, BLK, D_FEAT), lambda i: (0, i, 0)),
          pl.BlockSpec((NW, BLK), lambda i: (0, i)),
          pl.BlockSpec((D_FEAT, 256), lambda i: (0, 0)),
          pl.BlockSpec((256,), lambda i: (0,)),
          pl.BlockSpec((256, 256), lambda i: (0, 0)),
          pl.BlockSpec((256,), lambda i: (0,)),
          pl.BlockSpec((256, D_FEAT), lambda i: (0, 0)),
          pl.BlockSpec((D_FEAT,), lambda i: (0,)),
      ],
      out_specs=[
          pl.BlockSpec((BLK, D_FEAT), lambda i: (i, 0)),
          pl.BlockSpec((BLK, D_FEAT), lambda i: (i, 0)),
      ],
      out_shape=[
          jax.ShapeDtypeStruct((TOT, D_FEAT), jnp.float32),
          jax.ShapeDtypeStruct((TOT, D_FEAT), jnp.float32),
      ],
  )(sums, cnts, W1, b1, W2, b2, W3, b3)


def kernel(rgcn_node_feats, rgcn_edge_feats, graph_ids, motif_batch,
           W1, b1, W2, b2, W3, b3):
  del rgcn_edge_feats
  node = rgcn_node_feats.astype(jnp.float32)
  zrow = jnp.zeros((MROWS, D_FEAT), jnp.float32)
  zflat = jnp.zeros((TOT,), jnp.float32)
  sums, cnts = _sc_segment_sums(node, motif_batch, graph_ids, zrow, zflat)
  mean, out = _tc_head(sums, cnts, W1, b1, W2, b2, W3, b3)
  graph_feats = mean[N_MOTIFS:]
  out_global = out[N_MOTIFS:]
  out_sub = out[1:N_MOTIFS]
  return (graph_feats, out_global, out_sub)

# --- scband reference (transcript-rebuilt; emitter-appended) ---
"""Pipeline reference for scband-base-gnn-61057255079943 (READ-ONLY COPY).

The authoritative reference and input builder live on the scoring server;
editing this copy changes nothing except your own understanding.
"""

import jax, jax.numpy as jnp
import numpy as np

N_NODES = 100000
N_EDGES = 1600000
D_FEAT = 128
H = 256
N_GRAPHS = 1024
N_MOTIFS = 8192


def setup_inputs(seed: int = 0) -> dict:
    key = jax.random.key(seed)
    ks = jax.random.split(key, 12)
    rgcn_node_feats = jax.random.normal(ks[0], (N_NODES, D_FEAT), dtype=jnp.float32)
    rgcn_edge_feats = jax.random.randint(ks[1], (N_EDGES,), 0, 64, dtype=jnp.int32)
    graph_ids = jnp.sort(jax.random.randint(ks[2], (N_NODES,), 0, N_GRAPHS, dtype=jnp.int32))
    motif_batch = jnp.sort(jax.random.randint(ks[3], (N_NODES,), 0, N_MOTIFS, dtype=jnp.int32))
    # feat_lin: Linear(gnn_rgcn_out_feats=128 -> ffn_hidden_feats=256)
    W1 = jax.random.normal(ks[4], (D_FEAT, H), dtype=jnp.float32) * 0.05
    b1 = jnp.zeros((H,), dtype=jnp.float32)
    # out_lin: Linear(256->256), ReLU, Linear(256->128)
    W2 = jax.random.normal(ks[5], (H, H), dtype=jnp.float32) * 0.05
    b2 = jnp.zeros((H,), dtype=jnp.float32)
    W3 = jax.random.normal(ks[6], (H, H // 2), dtype=jnp.float32) * 0.05
    b3 = jnp.zeros((H // 2,), dtype=jnp.float32)
    return {
        "rgcn_node_feats": rgcn_node_feats,
        "rgcn_edge_feats": rgcn_edge_feats,
        "graph_ids": graph_ids,
        "motif_batch": motif_batch,
        "W1": W1, "b1": b1, "W2": W2, "b2": b2, "W3": W3, "b3": b3,
    }


def _segment_mean(data, seg_ids, num_segments):
    sums = jax.ops.segment_sum(data, seg_ids, num_segments=num_segments)
    counts = jax.ops.segment_sum(jnp.ones((data.shape[0], 1), dtype=data.dtype), seg_ids, num_segments=num_segments)
    return sums / jnp.maximum(counts, 1.0)


def reference(rgcn_node_feats, rgcn_edge_feats, graph_ids, motif_batch, W1, b1, W2, b2, W3, b3):
    # rgcn_gnn_layers is an empty ModuleList -> node feats pass through unchanged;
    # edge feats are popped (cast to long) but never used.
    node = rgcn_node_feats.astype(jnp.float32)
    _ = rgcn_edge_feats  # unused, as in the original forward with zero GNN layers

    def feat_lin(x):
        return x @ W1 + b1

    def out_lin(x):
        h = jax.nn.relu(x @ W2 + b2)
        return h @ W3 + b3

    # readout='mean' -> AvgPooling over each graph in the batch
    graph_feats = _segment_mean(node, graph_ids, N_GRAPHS)
    feats_global = feat_lin(graph_feats)
    out_global = out_lin(feats_global)

    # scatter_mean over motif assignments, drop row 0 (unassigned motif)
    h_sub = _segment_mean(node, motif_batch, N_MOTIFS)
    h_sub = h_sub[1:, :]
    feats_sub = feat_lin(h_sub)
    out_sub = out_lin(feats_sub)
    return (graph_feats, out_global, out_sub)

if __name__ == "__main__":
    import jax
    _d = setup_inputs()
    print(jax.jit(kernel)(*tuple(_d.values())))

</pallas_src>

<mosaic_0001>
#map = affine_map<(d0, d1) -> (0, 0)>
#map1 = affine_map<(d0, d1) -> (0)>
#map2 = affine_map<(d0, d1) -> (0, 0, 0)>
module attributes {stable_mosaic.version = 14 : i64} {
  func.func @seg_kernel(%arg0: i32, %arg1: i32, %arg2: memref<100000x128xf32, #tpu.memory_space<hbm>>, %arg3: memref<100000xi32, #tpu.memory_space<hbm>>, %arg4: memref<100000xi32, #tpu.memory_space<hbm>>, %arg5: memref<512x128xf32, #tpu.memory_space<hbm>>, %arg6: memref<9216xf32, #tpu.memory_space<hbm>>, %arg7: memref<2x9216x128xf32, #tpu.memory_space<hbm>>, %arg8: memref<32x9216xf32, #tpu.memory_space<hbm>>, %arg9: memref<128x128xf32, #tpu.memory_space<vmem>>, %arg10: memref<128x128xf32, #tpu.memory_space<vmem>>, %arg11: memref<32x128xf32, #tpu.memory_space<vmem>>, %arg12: memref<128xi32, #tpu.memory_space<vmem>>, %arg13: memref<128xi32, #tpu.memory_space<vmem>>, %arg14: memref<128xi32, #tpu.memory_space<vmem>>, %arg15: memref<128xi32, #tpu.memory_space<vmem>>, %arg16: memref<32xi32, #tpu.memory_space<vmem>>, %arg17: memref<32xi32, #tpu.memory_space<vmem>>, %arg18: memref<9216xf32, #tpu.memory_space<vmem>>, %arg19: memref<8192x128xf32, #tpu.memory_space<vmem_shared>>, %arg20: memref<1024x128xf32, #tpu.memory_space<vmem_shared>>, %arg21: memref<!tpu.dma_semaphore, #tpu.memory_space<semaphore_mem>>, %arg22: memref<!tpu.dma_semaphore, #tpu.memory_space<semaphore_mem>>, %arg23: memref<!tpu.dma_semaphore, #tpu.memory_space<semaphore_mem>>, %arg24: memref<!tpu.dma_semaphore, #tpu.memory_space<semaphore_mem>>) attributes {dimension_semantics = [#tpu.dimension_semantics<core_parallel>, #tpu.dimension_semantics<subcore_parallel>], iteration_bounds = array<i64: 2, 16>, scalar_prefetch = 0 : i64, scratch_operands = 16 : i64, tpu.core_type = #tpu.core_type<sc_vector_subcore>, window_params = [{transform_indices = #map}, {transform_indices = #map1}, {transform_indices = #map1}, {transform_indices = #map}, {transform_indices = #map1}, {transform_indices = #map2}, {transform_indices = #map}]} {
    %mul3A = arith.constant 16 : i32
    %mul3A_0 = arith.muli %arg0, %mul3A : i32
    %add3A = arith.addi %mul3A_0, %arg1 : i32
    %mul3A_1 = arith.constant 782 : i32
    %mul3A_2 = arith.muli %mul3A_1, %add3A : i32
    %jit3A = arith.constant 32 : i32
    %div3A = arith.divsi %mul3A_2, %jit3A : i32
    %sign3A = arith.constant 0 : i32
    %sign3A_3 = arith.cmpi sgt, %mul3A_2, %sign3A : i32
    %sign3A_4 = arith.extui %sign3A_3 : i1 to i32
    %sign3A_5 = arith.constant 0 : i32
    %sign3A_6 = arith.cmpi slt, %mul3A_2, %sign3A_5 : i32
    %sign3A_7 = arith.extui %sign3A_6 : i1 to i32
    %sign3A_8 = arith.subi %sign3A_4, %sign3A_7 : i32
    %sign3A_9 = arith.constant 0 : i32
    %sign3A_10 = arith.cmpi sgt, %jit3A, %sign3A_9 : i32
    %sign3A_11 = arith.extui %sign3A_10 : i1 to i32
    %sign3A_12 = arith.constant 0 : i32
    %sign3A_13 = arith.cmpi slt, %jit3A, %sign3A_12 : i32
    %sign3A_14 = arith.extui %sign3A_13 : i1 to i32
    %sign3A_15 = arith.subi %sign3A_11, %sign3A_14 : i32
    %ne3A = arith.cmpi ne, %sign3A_8, %sign3A_15 : i32
    %rem3A = arith.remsi %mul3A_2, %jit3A : i32
    %ne3A_16 = arith.constant 0 : i32
    %ne3A_17 = arith.cmpi ne, %rem3A, %ne3A_16 : i32
    %and3A = arith.andi %ne3A, %ne3A_17 : i1
    %sub3A = arith.constant 1 : i32
    %sub3A_18 = arith.subi %div3A, %sub3A : i32
    %select_n3A = arith.select %and3A, %sub3A_18, %div3A : i32
    %add3A_19 = arith.constant 1 : i32
    %add3A_20 = arith.addi %add3A, %add3A_19 : i32
    %mul3A_21 = arith.constant 782 : i32
    %mul3A_22 = arith.muli %mul3A_21, %add3A_20 : i32
    %jit3A_23 = arith.constant 32 : i32
    %div3A_24 = arith.divsi %mul3A_22, %jit3A_23 : i32
    %sign3A_25 = arith.constant 0 : i32
    %sign3A_26 = arith.cmpi sgt, %mul3A_22, %sign3A_25 : i32
    %sign3A_27 = arith.extui %sign3A_26 : i1 to i32
    %sign3A_28 = arith.constant 0 : i32
    %sign3A_29 = arith.cmpi slt, %mul3A_22, %sign3A_28 : i32
    %sign3A_30 = arith.extui %sign3A_29 : i1 to i32
    %sign3A_31 = arith.subi %sign3A_27, %sign3A_30 : i32
    %sign3A_32 = arith.constant 0 : i32
    %sign3A_33 = arith.cmpi sgt, %jit3A_23, %sign3A_32 : i32
    %sign3A_34 = arith.extui %sign3A_33 : i1 to i32
    %sign3A_35 = arith.constant 0 : i32
    %sign3A_36 = arith.cmpi slt, %jit3A_23, %sign3A_35 : i32
    %sign3A_37 = arith.extui %sign3A_36 : i1 to i32
    %sign3A_38 = arith.subi %sign3A_34, %sign3A_37 : i32
    %ne3A_39 = arith.cmpi ne, %sign3A_31, %sign3A_38 : i32
    %rem3A_40 = arith.remsi %mul3A_22, %jit3A_23 : i32
    %ne3A_41 = arith.constant 0 : i32
    %ne3A_42 = arith.cmpi ne, %rem3A_40, %ne3A_41 : i32
    %and3A_43 = arith.andi %ne3A_39, %ne3A_42 : i1
    %sub3A_44 = arith.constant 1 : i32
    %sub3A_45 = arith.subi %div3A_24, %sub3A_44 : i32
    %select_n3A_46 = arith.select %and3A_43, %sub3A_45, %div3A_24 : i32
    %min3A = arith.constant 781 : i32
    %min3A_47 = arith.minsi %select_n3A_46, %min3A : i32
    %broadcast_in_dim3A = arith.constant 1.000000e+00 : f32
    %broadcast_in_dim3A_48 = vector.broadcast %broadcast_in_dim3A : f32 to vector<16xf32>
    %mul3A_49 = arith.constant 128 : i32
    %mul3A_50 = arith.muli %select_n3A, %mul3A_49 : i32
    %dma_start3A = arith.constant 0 : i32
    %dma_start3A_51 = tpu.memref_slice %arg2[%mul3A_50, %dma_start3A] : memref<100000x128xf32, #tpu.memory_space<hbm>> -> memref<128x128xf32, #tpu.memory_space<hbm>>
    %dma_start3A_52 = arith.constant 0 : i32
    %dma_start3A_53 = tpu.memref_slice %arg2[%mul3A_50, %dma_start3A_52] : memref<100000x128xf32, #tpu.memory_space<hbm>> -> memref<128x128xf32, #tpu.memory_space<hbm>>
    tpu.enqueue_dma source(%dma_start3A_53 : memref<128x128xf32, #tpu.memory_space<hbm>>) target(%arg9 : memref<128x128xf32, #tpu.memory_space<vmem>>) target_semaphore(%arg21 : memref<!tpu.dma_semaphore, #tpu.memory_space<semaphore_mem>>)
    %dma_start3A_54 = tpu.memref_slice %arg3[%mul3A_50] : memref<100000xi32, #tpu.memory_space<hbm>> -> memref<128xi32, #tpu.memory_space<hbm>>
    %dma_start3A_55 = tpu.memref_slice %arg3[%mul3A_50] : memref<100000xi32, #tpu.memory_space<hbm>> -> memref<128xi32, #tpu.memory_space<hbm>>
    tpu.enqueue_dma source(%dma_start3A_55 : memref<128xi32, #tpu.memory_space<hbm>>) target(%arg12 : memref<128xi32, #tpu.memory_space<vmem>>) target_semaphore(%arg21 : memref<!tpu.dma_semaphore, #tpu.memory_space<semaphore_mem>>)
    %dma_start3A_56 = tpu.memref_slice %arg4[%mul3A_50] : memref<100000xi32, #tpu.memory_space<hbm>> -> memref<128xi32, #tpu.memory_space<hbm>>
    %dma_start3A_57 = tpu.memref_slice %arg4[%mul3A_50] : memref<100000xi32, #tpu.memory_space<hbm>> -> memref<128xi32, #tpu.memory_space<hbm>>
    tpu.enqueue_dma source(%dma_start3A_57 : memref<128xi32, #tpu.memory_space<hbm>>) target(%arg14 : memref<128xi32, #tpu.memory_space<vmem>>) target_semaphore(%arg21 : memref<!tpu.dma_semaphore, #tpu.memory_space<semaphore_mem>>)
    %mul3A_58 = arith.constant 512 : i32
    %mul3A_59 = arith.muli %arg1, %mul3A_58 : i32
    "tpu.region"() ({
      %run_scoped3A = tpu.sem_alloc : memref<!tpu.dma_semaphore, #tpu.memory_space<semaphore_mem>>
      %dma_start3A_94 = arith.constant 0 : i32
      %dma_start3A_95 = tpu.memref_slice %arg19[%mul3A_59, %dma_start3A_94] : memref<8192x128xf32, #tpu.memory_space<vmem_shared>> -> memref<512x128xf32, #tpu.memory_space<vmem_shared>>
      tpu.enqueue_dma source(%arg5 : memref<512x128xf32, #tpu.memory_space<hbm>>) target(%dma_start3A_95 : memref<512x128xf32, #tpu.memory_space<vmem_shared>>) target_semaphore(%run_scoped3A : memref<!tpu.dma_semaphore, #tpu.memory_space<semaphore_mem>>)
      %dma_wait3A_96 = arith.constant 0 : i32
      %dma_wait3A_97 = tpu.memref_slice %arg19[%mul3A_59, %dma_wait3A_96] : memref<8192x128xf32, #tpu.memory_space<vmem_shared>> -> memref<512x128xf32, #tpu.memory_space<vmem_shared>>
      tpu.wait_dma2 semaphore(%run_scoped3A : memref<!tpu.dma_semaphore, #tpu.memory_space<semaphore_mem>>) src(%arg5 : memref<512x128xf32, #tpu.memory_space<hbm>>) dst(%dma_wait3A_97 : memref<512x128xf32, #tpu.memory_space<vmem_shared>>)
      tpu.yield
    }) : () -> ()
    %mul3A_60 = arith.constant 64 : i32
    %mul3A_61 = arith.muli %arg1, %mul3A_60 : i32
    "tpu.region"() ({
      %run_scoped3A = tpu.sem_alloc : memref<!tpu.dma_semaphore, #tpu.memory_space<semaphore_mem>>
      %dma_start3A_94 = arith.constant 0 : i32
      %dma_start3A_95 = tpu.memref_slice %arg20[%mul3A_61, %dma_start3A_94] : memref<1024x128xf32, #tpu.memory_space<vmem_shared>> -> memref<64x128xf32, #tpu.memory_space<vmem_shared>>
      %dma_start3A_96 = arith.constant 0 : i32
      %dma_start3A_97 = arith.constant 0 : i32
      %dma_start3A_98 = tpu.memref_slice %arg5[%dma_start3A_96, %dma_start3A_97] : memref<512x128xf32, #tpu.memory_space<hbm>> -> memref<64x128xf32, #tpu.memory_space<hbm>>
      tpu.enqueue_dma source(%dma_start3A_98 : memref<64x128xf32, #tpu.memory_space<hbm>>) target(%dma_start3A_95 : memref<64x128xf32, #tpu.memory_space<vmem_shared>>) target_semaphore(%run_scoped3A : memref<!tpu.dma_semaphore, #tpu.memory_space<semaphore_mem>>)
      %dma_wait3A_99 = arith.constant 0 : i32
      %dma_wait3A_100 = tpu.memref_slice %arg20[%mul3A_61, %dma_wait3A_99] : memref<1024x128xf32, #tpu.memory_space<vmem_shared>> -> memref<64x128xf32, #tpu.memory_space<vmem_shared>>
      %dma_wait3A_101 = arith.constant 0 : i32
      %dma_wait3A_102 = arith.constant 0 : i32
      %dma_wait3A_103 = tpu.memref_slice %arg5[%dma_wait3A_101, %dma_wait3A_102] : memref<512x128xf32, #tpu.memory_space<hbm>> -> memref<64x128xf32, #tpu.memory_space<hbm>>
      tpu.wait_dma2 semaphore(%run_scoped3A : memref<!tpu.dma_semaphore, #tpu.memory_space<semaphore_mem>>) src(%dma_wait3A_103 : memref<64x128xf32, #tpu.memory_space<hbm>>) dst(%dma_wait3A_100 : memref<64x128xf32, #tpu.memory_space<vmem_shared>>)
      tpu.yield
    }) : () -> ()
    "tpu.region"() ({
      %run_scoped3A = tpu.sem_alloc : memref<!tpu.dma_semaphore, #tpu.memory_space<semaphore_mem>>
      tpu.enqueue_dma source(%arg6 : memref<9216xf32, #tpu.memory_space<hbm>>) target(%arg18 : memref<9216xf32, #tpu.memory_space<vmem>>) target_semaphore(%run_scoped3A : memref<!tpu.dma_semaphore, #tpu.memory_space<semaphore_mem>>)
      tpu.wait_dma2 semaphore(%run_scoped3A : memref<!tpu.dma_semaphore, #tpu.memory_space<semaphore_mem>>) src(%arg6 : memref<9216xf32, #tpu.memory_space<hbm>>) dst(%arg18 : memref<9216xf32, #tpu.memory_space<vmem>>)
      tpu.yield
    }) : () -> ()
    %barrier3A = arith.constant 0 : index
    tpu.barrier barrier_id(%barrier3A)
    %while3A = arith.constant 0 : i32
    %while3A_62 = arith.subi %min3A_47, %select_n3A : i32
    %while3A_63 = arith.addi %select_n3A, %while3A_62 : i32
    %while3A_64 = arith.constant 1 : i32
    %while3A_65 = arith.divsi %while3A_62, %while3A_64 : i32
    %while3A_66 = arith.muli %while3A_65, %while3A_64 : i32
    %while3A_67 = arith.addi %select_n3A, %while3A_66 : i32
    %while3A_68 = arith.constant 1 : i32
    scf.for %while3A_94 = %select_n3A to %while3A_67 step %while3A_68  : i32 {
      %sub3A_95 = arith.subi %while3A_94, %select_n3A : i32
      %jit3A_96 = arith.constant 2 : i32
      %eq3A_97 = arith.constant 0 : i32
      %eq3A_98 = arith.cmpi eq, %jit3A_96, %eq3A_97 : i32
      %jit3A_99 = arith.constant 1 : i32
      %select_n3A_100 = arith.select %eq3A_98, %jit3A_99, %jit3A_96 : i32
      %rem3A_101 = arith.remsi %sub3A_95, %select_n3A_100 : i32
      %ne3A_102 = arith.constant 0 : i32
      %ne3A_103 = arith.cmpi ne, %rem3A_101, %ne3A_102 : i32
      %lt3A = arith.constant 0 : i32
      %lt3A_104 = arith.cmpi slt, %rem3A_101, %lt3A : i32
      %lt3A_105 = arith.constant 0 : i32
      %lt3A_106 = arith.cmpi slt, %select_n3A_100, %lt3A_105 : i32
      %ne3A_107 = arith.xori %lt3A_104, %lt3A_106 : i1
      %and3A_108 = arith.andi %ne3A_107, %ne3A_103 : i1
      %add3A_109 = arith.addi %rem3A_101, %select_n3A_100 : i32
      %select_n3A_110 = arith.select %and3A_108, %add3A_109, %rem3A_101 : i32
      %eq3A_111 = arith.constant 0 : i32
      %eq3A_112 = arith.cmpi eq, %select_n3A_110, %eq3A_111 : i32
      %convert_element_type3A_113 = arith.extui %eq3A_112 : i1 to i32
      %cond3A_114 = arith.constant 0 : i32
      %cond3A_115 = arith.cmpi ne, %convert_element_type3A_113, %cond3A_114 : i32
      scf.if %cond3A_115 {
        %add3A_121 = arith.constant 1 : i32
        %add3A_122 = arith.addi %while3A_94, %add3A_121 : i32
        %lt3A_123 = arith.cmpi slt, %add3A_122, %min3A_47 : i32
        %convert_element_type3A_124 = arith.extui %lt3A_123 : i1 to i32
        %cond3A_125 = arith.constant 0 : i32
        %cond3A_126 = arith.cmpi ne, %convert_element_type3A_124, %cond3A_125 : i32
        scf.if %cond3A_126 {
          %sub3A_198 = arith.constant 1 : i32
          %sub3A_199 = arith.subi %while3A_94, %sub3A_198 : i32
          %ge3A = arith.cmpi sge, %sub3A_199, %select_n3A : i32
          %convert_element_type3A_200 = arith.extui %ge3A : i1 to i32
          %cond3A_201 = arith.constant 0 : i32
          %cond3A_202 = arith.cmpi ne, %convert_element_type3A_200, %cond3A_201 : i32
          scf.if %cond3A_202 {
            %dma_wait3A_215 = arith.constant 0 : i32
            %dma_wait3A_216 = arith.constant 0 : i32
            %dma_wait3A_217 = tpu.memref_slice %arg19[%dma_wait3A_215, %dma_wait3A_216] : memref<8192x128xf32, #tpu.memory_space<vmem_shared>> -> memref<8192x128xf32, #tpu.memory_space<vmem_shared>>
            tpu.wait_indirect_dma semaphore(%arg24 : memref<!tpu.dma_semaphore, #tpu.memory_space<semaphore_mem>>) src(%arg10 : memref<128x128xf32, #tpu.memory_space<vmem>>) dst(%dma_wait3A_217 : memref<8192x128xf32, #tpu.memory_space<vmem_shared>>)
            %dma_wait3A_218 = arith.constant 0 : i32
            %dma_wait3A_219 = arith.constant 0 : i32
            %dma_wait3A_220 = tpu.memref_slice %arg20[%dma_wait3A_218, %dma_wait3A_219] : memref<1024x128xf32, #tpu.memory_space<vmem_shared>> -> memref<1024x128xf32, #tpu.memory_space<vmem_shared>>
            tpu.wait_indirect_dma semaphore(%arg24 : memref<!tpu.dma_semaphore, #tpu.memory_space<semaphore_mem>>) src(%arg10 : memref<128x128xf32, #tpu.memory_space<vmem>>) dst(%dma_wait3A_220 : memref<1024x128xf32, #tpu.memory_space<vmem_shared>>)
          } else {
          }
          %add3A_203 = arith.constant 1 : i32
          %add3A_204 = arith.addi %while3A_94, %add3A_203 : i32
          %mul3A_205 = arith.constant 128 : i32
          %mul3A_206 = arith.muli %add3A_204, %mul3A_205 : i32
          %dma_start3A_207 = arith.constant 0 : i32
          %dma_start3A_208 = tpu.memref_slice %arg2[%mul3A_206, %dma_start3A_207] : memref<100000x128xf32, #tpu.memory_space<hbm>> -> memref<128x128xf32, #tpu.memory_space<hbm>>
          %dma_start3A_209 = arith.constant 0 : i32
          %dma_start3A_210 = tpu.memref_slice %arg2[%mul3A_206, %dma_start3A_209] : memref<100000x128xf32, #tpu.memory_space<hbm>> -> memref<128x128xf32, #tpu.memory_space<hbm>>
          tpu.enqueue_dma source(%dma_start3A_210 : memref<128x128xf32, #tpu.memory_space<hbm>>) target(%arg10 : memref<128x128xf32, #tpu.memory_space<vmem>>) target_semaphore(%arg22 : memref<!tpu.dma_semaphore, #tpu.memory_space<semaphore_mem>>)
          %dma_start3A_211 = tpu.memref_slice %arg3[%mul3A_206] : memref<100000xi32, #tpu.memory_space<hbm>> -> memref<128xi32, #tpu.memory_space<hbm>>
          %dma_start3A_212 = tpu.memref_slice %arg3[%mul3A_206] : memref<100000xi32, #tpu.memory_space<hbm>> -> memref<128xi32, #tpu.memory_space<hbm>>
          tpu.enqueue_dma source(%dma_start3A_212 : memref<128xi32, #tpu.memory_space<hbm>>) target(%arg13 : memref<128xi32, #tpu.memory_space<vmem>>) target_semaphore(%arg22 : memref<!tpu.dma_semaphore, #tpu.memory_space<semaphore_mem>>)
          %dma_start3A_213 = tpu.memref_slice %arg4[%mul3A_206] : memref<100000xi32, #tpu.memory_space<hbm>> -> memref<128xi32, #tpu.memory_space<hbm>>
          %dma_start3A_214 = tpu.memref_slice %arg4[%mul3A_206] : memref<100000xi32, #tpu.memory_space<hbm>> -> memref<128xi32, #tpu.memory_space<hbm>>
          tpu.enqueue_dma source(%dma_start3A_214 : memref<128xi32, #tpu.memory_space<hbm>>) target(%arg15 : memref<128xi32, #tpu.memory_space<vmem>>) target_semaphore(%arg22 : memref<!tpu.dma_semaphore, #tpu.memory_space<semaphore_mem>>)
        } else {
        }
        %mul3A_127 = arith.constant 128 : i32
        %mul3A_128 = arith.muli %while3A_94, %mul3A_127 : i32
        %dma_wait3A_129 = arith.constant 0 : i32
        %dma_wait3A_130 = tpu.memref_slice %arg2[%mul3A_128, %dma_wait3A_129] : memref<100000x128xf32, #tpu.memory_space<hbm>> -> memref<128x128xf32, #tpu.memory_space<hbm>>
        %dma_wait3A_131 = arith.constant 0 : i32
        %dma_wait3A_132 = tpu.memref_slice %arg2[%mul3A_128, %dma_wait3A_131] : memref<100000x128xf32, #tpu.memory_space<hbm>> -> memref<128x128xf32, #tpu.memory_space<hbm>>
        tpu.wait_dma2 semaphore(%arg21 : memref<!tpu.dma_semaphore, #tpu.memory_space<semaphore_mem>>) src(%dma_wait3A_132 : memref<128x128xf32, #tpu.memory_space<hbm>>) dst(%arg9 : memref<128x128xf32, #tpu.memory_space<vmem>>)
        %dma_wait3A_133 = tpu.memref_slice %arg3[%mul3A_128] : memref<100000xi32, #tpu.memory_space<hbm>> -> memref<128xi32, #tpu.memory_space<hbm>>
        %dma_wait3A_134 = tpu.memref_slice %arg3[%mul3A_128] : memref<100000xi32, #tpu.memory_space<hbm>> -> memref<128xi32, #tpu.memory_space<hbm>>
        tpu.wait_dma2 semaphore(%arg21 : memref<!tpu.dma_semaphore, #tpu.memory_space<semaphore_mem>>) src(%dma_wait3A_134 : memref<128xi32, #tpu.memory_space<hbm>>) dst(%arg12 : memref<128xi32, #tpu.memory_space<vmem>>)
        %dma_wait3A_135 = tpu.memref_slice %arg4[%mul3A_128] : memref<100000xi32, #tpu.memory_space<hbm>> -> memref<128xi32, #tpu.memory_space<hbm>>
        %dma_wait3A_136 = tpu.memref_slice %arg4[%mul3A_128] : memref<100000xi32, #tpu.memory_space<hbm>> -> memref<128xi32, #tpu.memory_space<hbm>>
        tpu.wait_dma2 semaphore(%arg21 : memref<!tpu.dma_semaphore, #tpu.memory_space<semaphore_mem>>) src(%dma_wait3A_136 : memref<128xi32, #tpu.memory_space<hbm>>) dst(%arg14 : memref<128xi32, #tpu.memory_space<vmem>>)
        %get3A = arith.constant 0 : index
        %get3A_137 = tpu.vector_load %arg12[%get3A] {strides = array<i32>} : memref<128xi32, #tpu.memory_space<vmem>>, vector<16xi32>,
        tpu.vector_store_idx %arg18[%get3A_137], %broadcast_in_dim3A_48 {add = true} : memref<9216xf32, #tpu.memory_space<vmem>>[vector<16xi32>], vector<16xf32>,
        %get3A_138 = arith.constant 0 : index
        %get3A_139 = tpu.vector_load %arg14[%get3A_138] {strides = array<i32>} : memref<128xi32, #tpu.memory_space<vmem>>, vector<16xi32>,
        %add3A_140 = arith.constant 8192 : i32
        %add3A_141 = vector.broadcast %add3A_140 : i32 to vector<16xi32>
        %add3A_142 = arith.addi %get3A_139, %add3A_141 : vector<16xi32>
        tpu.vector_store_idx %arg18[%add3A_142], %broadcast_in_dim3A_48 {add = true} : memref<9216xf32, #tpu.memory_space<vmem>>[vector<16xi32>], vector<16xf32>,
        %get3A_143 = arith.constant 16 : index
        %get3A_144 = tpu.vector_load %arg12[%get3A_143] {strides = array<i32>} : memref<128xi32, #tpu.memory_space<vmem>>, vector<16xi32>,
        tpu.vector_store_idx %arg18[%get3A_144], %broadcast_in_dim3A_48 {add = true} : memref<9216xf32, #tpu.memory_space<vmem>>[vector<16xi32>], vector<16xf32>,
        %get3A_145 = arith.constant 16 : index
        %get3A_146 = tpu.vector_load %arg14[%get3A_145] {strides = array<i32>} : memref<128xi32, #tpu.memory_space<vmem>>, vector<16xi32>,
        %add3A_147 = arith.constant 8192 : i32
        %add3A_148 = vector.broadcast %add3A_147 : i32 to vector<16xi32>
        %add3A_149 = arith.addi %get3A_146, %add3A_148 : vector<16xi32>
        tpu.vector_store_idx %arg18[%add3A_149], %broadcast_in_dim3A_48 {add = true} : memref<9216xf32, #tpu.memory_space<vmem>>[vector<16xi32>], vector<16xf32>,
        %get3A_150 = arith.constant 32 : index
        %get3A_151 = tpu.vector_load %arg12[%get3A_150] {strides = array<i32>} : memref<128xi32, #tpu.memory_space<vmem>>, vector<16xi32>,
        tpu.vector_store_idx %arg18[%get3A_151], %broadcast_in_dim3A_48 {add = true} : memref<9216xf32, #tpu.memory_space<vmem>>[vector<16xi32>], vector<16xf32>,
        %get3A_152 = arith.constant 32 : index
        %get3A_153 = tpu.vector_load %arg14[%get3A_152] {strides = array<i32>} : memref<128xi32, #tpu.memory_space<vmem>>, vector<16xi32>,
        %add3A_154 = arith.constant 8192 : i32
        %add3A_155 = vector.broadcast %add3A_154 : i32 to vector<16xi32>
        %add3A_156 = arith.addi %get3A_153, %add3A_155 : vector<16xi32>
        tpu.vector_store_idx %arg18[%add3A_156], %broadcast_in_dim3A_48 {add = true} : memref<9216xf32, #tpu.memory_space<vmem>>[vector<16xi32>], vector<16xf32>,
        %get3A_157 = arith.constant 48 : index
        %get3A_158 = tpu.vector_load %arg12[%get3A_157] {strides = array<i32>} : memref<128xi32, #tpu.memory_space<vmem>>, vector<16xi32>,
        tpu.vector_store_idx %arg18[%get3A_158], %broadcast_in_dim3A_48 {add = true} : memref<9216xf32, #tpu.memory_space<vmem>>[vector<16xi32>], vector<16xf32>,
        %get3A_159 = arith.constant 48 : index
        %get3A_160 = tpu.vector_load %arg14[%get3A_159] {strides = array<i32>} : memref<128xi32, #tpu.memory_space<vmem>>, vector<16xi32>,
        %add3A_161 = arith.constant 8192 : i32
        %add3A_162 = vector.broadcast %add3A_161 : i32 to vector<16xi32>
        %add3A_163 = arith.addi %get3A_160, %add3A_162 : vector<16xi32>
        tpu.vector_store_idx %arg18[%add3A_163], %broadcast_in_dim3A_48 {add = true} : memref<9216xf32, #tpu.memory_space<vmem>>[vector<16xi32>], vector<16xf32>,
        %get3A_164 = arith.constant 64 : index
        %get3A_165 = tpu.vector_load %arg12[%get3A_164] {strides = array<i32>} : memref<128xi32, #tpu.memory_space<vmem>>, vector<16xi32>,
        tpu.vector_store_idx %arg18[%get3A_165], %broadcast_in_dim3A_48 {add = true} : memref<9216xf32, #tpu.memory_space<vmem>>[vector<16xi32>], vector<16xf32>,
        %get3A_166 = arith.constant 64 : index
        %get3A_167 = tpu.vector_load %arg14[%get3A_166] {strides = array<i32>} : memref<128xi32, #tpu.memory_space<vmem>>, vector<16xi32>,
        %add3A_168 = arith.constant 8192 : i32
        %add3A_169 = vector.broadcast %add3A_168 : i32 to vector<16xi32>
        %add3A_170 = arith.addi %get3A_167, %add3A_169 : vector<16xi32>
        tpu.vector_store_idx %arg18[%add3A_170], %broadcast_in_dim3A_48 {add = true} : memref<9216xf32, #tpu.memory_space<vmem>>[vector<16xi32>], vector<16xf32>,
        %get3A_171 = arith.constant 80 : index
        %get3A_172 = tpu.vector_load %arg12[%get3A_171] {strides = array<i32>} : memref<128xi32, #tpu.memory_space<vmem>>, vector<16xi32>,
        tpu.vector_store_idx %arg18[%get3A_172], %broadcast_in_dim3A_48 {add = true} : memref<9216xf32, #tpu.memory_space<vmem>>[vector<16xi32>], vector<16xf32>,
        %get3A_173 = arith.constant 80 : index
        %get3A_174 = tpu.vector_load %arg14[%get3A_173] {strides = array<i32>} : memref<128xi32, #tpu.memory_space<vmem>>, vector<16xi32>,
        %add3A_175 = arith.constant 8192 : i32
        %add3A_176 = vector.broadcast %add3A_175 : i32 to vector<16xi32>
        %add3A_177 = arith.addi %get3A_174, %add3A_176 : vector<16xi32>
        tpu.vector_store_idx %arg18[%add3A_177], %broadcast_in_dim3A_48 {add = true} : memref<9216xf32, #tpu.memory_space<vmem>>[vector<16xi32>], vector<16xf32>,
        %get3A_178 = arith.constant 96 : index
        %get3A_179 = tpu.vector_load %arg12[%get3A_178] {strides = array<i32>} : memref<128xi32, #tpu.memory_space<vmem>>, vector<16xi32>,
        tpu.vector_store_idx %arg18[%get3A_179], %broadcast_in_dim3A_48 {add = true} : memref<9216xf32, #tpu.memory_space<vmem>>[vector<16xi32>], vector<16xf32>,
        %get3A_180 = arith.constant 96 : index
        %get3A_181 = tpu.vector_load %arg14[%get3A_180] {strides = array<i32>} : memref<128xi32, #tpu.memory_space<vmem>>, vector<16xi32>,
        %add3A_182 = arith.constant 8192 : i32
        %add3A_183 = vector.broadcast %add3A_182 : i32 to vector<16xi32>
        %add3A_184 = arith.addi %get3A_181, %add3A_183 : vector<16xi32>
        tpu.vector_store_idx %arg18[%add3A_184], %broadcast_in_dim3A_48 {add = true} : memref<9216xf32, #tpu.memory_space<vmem>>[vector<16xi32>], vector<16xf32>,
        %get3A_185 = arith.constant 112 : index
        %get3A_186 = tpu.vector_load %arg12[%get3A_185] {strides = array<i32>} : memref<128xi32, #tpu.memory_space<vmem>>, vector<16xi32>,
        tpu.vector_store_idx %arg18[%get3A_186], %broadcast_in_dim3A_48 {add = true} : memref<9216xf32, #tpu.memory_space<vmem>>[vector<16xi32>], vector<16xf32>,
        %get3A_187 = arith.constant 112 : index
        %get3A_188 = tpu.vector_load %arg14[%get3A_187] {strides = array<i32>} : memref<128xi32, #tpu.memory_space<vmem>>, vector<16xi32>,
        %add3A_189 = arith.constant 8192 : i32
        %add3A_190 = vector.broadcast %add3A_189 : i32 to vector<16xi32>
        %add3A_191 = arith.addi %get3A_188, %add3A_190 : vector<16xi32>
        tpu.vector_store_idx %arg18[%add3A_191], %broadcast_in_dim3A_48 {add = true} : memref<9216xf32, #tpu.memory_space<vmem>>[vector<16xi32>], vector<16xf32>,
        %dma_start3A_192 = arith.constant 0 : i32
        %dma_start3A_193 = arith.constant 0 : i32
        %dma_start3A_194 = tpu.memref_slice %arg19[%dma_start3A_192, %dma_start3A_193] : memref<8192x128xf32, #tpu.memory_space<vmem_shared>> -> memref<8192x128xf32, #tpu.memory_space<vmem_shared>>
        tpu.enqueue_indirect_dma source(%arg9 : memref<128x128xf32, #tpu.memory_space<vmem>>) target(%dma_start3A_194 : memref<8192x128xf32, #tpu.memory_space<vmem_shared>>) offsets(%arg12 : memref<128xi32, #tpu.memory_space<vmem>>) semaphore(%arg23 : memref<!tpu.dma_semaphore, #tpu.memory_space<semaphore_mem>>) {add = true}
        %dma_start3A_195 = arith.constant 0 : i32
        %dma_start3A_196 = arith.constant 0 : i32
        %dma_start3A_197 = tpu.memref_slice %arg20[%dma_start3A_195, %dma_start3A_196] : memref<1024x128xf32, #tpu.memory_space<vmem_shared>> -> memref<1024x128xf32, #tpu.memory_space<vmem_shared>>
        tpu.enqueue_indirect_dma source(%arg9 : memref<128x128xf32, #tpu.memory_space<vmem>>) target(%dma_start3A_197 : memref<1024x128xf32, #tpu.memory_space<vmem_shared>>) offsets(%arg14 : memref<128xi32, #tpu.memory_space<vmem>>) semaphore(%arg23 : memref<!tpu.dma_semaphore, #tpu.memory_space<semaphore_mem>>) {add = true}
      } else {
      }
      %eq3A_116 = arith.constant 1 : i32
      %eq3A_117 = arith.cmpi eq, %select_n3A_110, %eq3A_116 : i32
      %convert_element_type3A_118 = arith.extui %eq3A_117 : i1 to i32
      %cond3A_119 = arith.constant 0 : i32
      %cond3A_120 = arith.cmpi ne, %convert_element_type3A_118, %cond3A_119 : i32
      scf.if %cond3A_120 {
        %add3A_121 = arith.constant 1 : i32
        %add3A_122 = arith.addi %while3A_94, %add3A_121 : i32
        %lt3A_123 = arith.cmpi slt, %add3A_122, %min3A_47 : i32
        %convert_element_type3A_124 = arith.extui %lt3A_123 : i1 to i32
        %cond3A_125 = arith.constant 0 : i32
        %cond3A_126 = arith.cmpi ne, %convert_element_type3A_124, %cond3A_125 : i32
        scf.if %cond3A_126 {
          %sub3A_198 = arith.constant 1 : i32
          %sub3A_199 = arith.subi %while3A_94, %sub3A_198 : i32
          %ge3A = arith.cmpi sge, %sub3A_199, %select_n3A : i32
          %convert_element_type3A_200 = arith.extui %ge3A : i1 to i32
          %cond3A_201 = arith.constant 0 : i32
          %cond3A_202 = arith.cmpi ne, %convert_element_type3A_200, %cond3A_201 : i32
          scf.if %cond3A_202 {
            %dma_wait3A_215 = arith.constant 0 : i32
            %dma_wait3A_216 = arith.constant 0 : i32
            %dma_wait3A_217 = tpu.memref_slice %arg19[%dma_wait3A_215, %dma_wait3A_216] : memref<8192x128xf32, #tpu.memory_space<vmem_shared>> -> memref<8192x128xf32, #tpu.memory_space<vmem_shared>>
            tpu.wait_indirect_dma semaphore(%arg23 : memref<!tpu.dma_semaphore, #tpu.memory_space<semaphore_mem>>) src(%arg9 : memref<128x128xf32, #tpu.memory_space<vmem>>) dst(%dma_wait3A_217 : memref<8192x128xf32, #tpu.memory_space<vmem_shared>>)
            %dma_wait3A_218 = arith.constant 0 : i32
            %dma_wait3A_219 = arith.constant 0 : i32
            %dma_wait3A_220 = tpu.memref_slice %arg20[%dma_wait3A_218, %dma_wait3A_219] : memref<1024x128xf32, #tpu.memory_space<vmem_shared>> -> memref<1024x128xf32, #tpu.memory_space<vmem_shared>>
            tpu.wait_indirect_dma semaphore(%arg23 : memref<!tpu.dma_semaphore, #tpu.memory_space<semaphore_mem>>) src(%arg9 : memref<128x128xf32, #tpu.memory_space<vmem>>) dst(%dma_wait3A_220 : memref<1024x128xf32, #tpu.memory_space<vmem_shared>>)
          } else {
          }
          %add3A_203 = arith.constant 1 : i32
          %add3A_204 = arith.addi %while3A_94, %add3A_203 : i32
          %mul3A_205 = arith.constant 128 : i32
          %mul3A_206 = arith.muli %add3A_204, %mul3A_205 : i32
          %dma_start3A_207 = arith.constant 0 : i32
          %dma_start3A_208 = tpu.memref_slice %arg2[%mul3A_206, %dma_start3A_207] : memref<100000x128xf32, #tpu.memory_space<hbm>> -> memref<128x128xf32, #tpu.memory_space<hbm>>
          %dma_start3A_209 = arith.constant 0 : i32
          %dma_start3A_210 = tpu.memref_slice %arg2[%mul3A_206, %dma_start3A_209] : memref<100000x128xf32, #tpu.memory_space<hbm>> -> memref<128x128xf32, #tpu.memory_space<hbm>>
          tpu.enqueue_dma source(%dma_start3A_210 : memref<128x128xf32, #tpu.memory_space<hbm>>) target(%arg9 : memref<128x128xf32, #tpu.memory_space<vmem>>) target_semaphore(%arg21 : memref<!tpu.dma_semaphore, #tpu.memory_space<semaphore_mem>>)
          %dma_start3A_211 = tpu.memref_slice %arg3[%mul3A_206] : memref<100000xi32, #tpu.memory_space<hbm>> -> memref<128xi32, #tpu.memory_space<hbm>>
          %dma_start3A_212 = tpu.memref_slice %arg3[%mul3A_206] : memref<100000xi32, #tpu.memory_space<hbm>> -> memref<128xi32, #tpu.memory_space<hbm>>
          tpu.enqueue_dma source(%dma_start3A_212 : memref<128xi32, #tpu.memory_space<hbm>>) target(%arg12 : memref<128xi32, #tpu.memory_space<vmem>>) target_semaphore(%arg21 : memref<!tpu.dma_semaphore, #tpu.memory_space<semaphore_mem>>)
          %dma_start3A_213 = tpu.memref_slice %arg4[%mul3A_206] : memref<100000xi32, #tpu.memory_space<hbm>> -> memref<128xi32, #tpu.memory_space<hbm>>
          %dma_start3A_214 = tpu.memref_slice %arg4[%mul3A_206] : memref<100000xi32, #tpu.memory_space<hbm>> -> memref<128xi32, #tpu.memory_space<hbm>>
          tpu.enqueue_dma source(%dma_start3A_214 : memref<128xi32, #tpu.memory_space<hbm>>) target(%arg14 : memref<128xi32, #tpu.memory_space<vmem>>) target_semaphore(%arg21 : memref<!tpu.dma_semaphore, #tpu.memory_space<semaphore_mem>>)
        } else {
        }
        %mul3A_127 = arith.constant 128 : i32
        %mul3A_128 = arith.muli %while3A_94, %mul3A_127 : i32
        %dma_wait3A_129 = arith.constant 0 : i32
        %dma_wait3A_130 = tpu.memref_slice %arg2[%mul3A_128, %dma_wait3A_129] : memref<100000x128xf32, #tpu.memory_space<hbm>> -> memref<128x128xf32, #tpu.memory_space<hbm>>
        %dma_wait3A_131 = arith.constant 0 : i32
        %dma_wait3A_132 = tpu.memref_slice %arg2[%mul3A_128, %dma_wait3A_131] : memref<100000x128xf32, #tpu.memory_space<hbm>> -> memref<128x128xf32, #tpu.memory_space<hbm>>
        tpu.wait_dma2 semaphore(%arg22 : memref<!tpu.dma_semaphore, #tpu.memory_space<semaphore_mem>>) src(%dma_wait3A_132 : memref<128x128xf32, #tpu.memory_space<hbm>>) dst(%arg10 : memref<128x128xf32, #tpu.memory_space<vmem>>)
        %dma_wait3A_133 = tpu.memref_slice %arg3[%mul3A_128] : memref<100000xi32, #tpu.memory_space<hbm>> -> memref<128xi32, #tpu.memory_space<hbm>>
        %dma_wait3A_134 = tpu.memref_slice %arg3[%mul3A_128] : memref<100000xi32, #tpu.memory_space<hbm>> -> memref<128xi32, #tpu.memory_space<hbm>>
        tpu.wait_dma2 semaphore(%arg22 : memref<!tpu.dma_semaphore, #tpu.memory_space<semaphore_mem>>) src(%dma_wait3A_134 : memref<128xi32, #tpu.memory_space<hbm>>) dst(%arg13 : memref<128xi32, #tpu.memory_space<vmem>>)
        %dma_wait3A_135 = tpu.memref_slice %arg4[%mul3A_128] : memref<100000xi32, #tpu.memory_space<hbm>> -> memref<128xi32, #tpu.memory_space<hbm>>
        %dma_wait3A_136 = tpu.memref_slice %arg4[%mul3A_128] : memref<100000xi32, #tpu.memory_space<hbm>> -> memref<128xi32, #tpu.memory_space<hbm>>
        tpu.wait_dma2 semaphore(%arg22 : memref<!tpu.dma_semaphore, #tpu.memory_space<semaphore_mem>>) src(%dma_wait3A_136 : memref<128xi32, #tpu.memory_space<hbm>>) dst(%arg15 : memref<128xi32, #tpu.memory_space<vmem>>)
        %get3A = arith.constant 0 : index
        %get3A_137 = tpu.vector_load %arg13[%get3A] {strides = array<i32>} : memref<128xi32, #tpu.memory_space<vmem>>, vector<16xi32>,
        tpu.vector_store_idx %arg18[%get3A_137], %broadcast_in_dim3A_48 {add = true} : memref<9216xf32, #tpu.memory_space<vmem>>[vector<16xi32>], vector<16xf32>,
        %get3A_138 = arith.constant 0 : index
        %get3A_139 = tpu.vector_load %arg15[%get3A_138] {strides = array<i32>} : memref<128xi32, #tpu.memory_space<vmem>>, vector<16xi32>,
        %add3A_140 = arith.constant 8192 : i32
        %add3A_141 = vector.broadcast %add3A_140 : i32 to vector<16xi32>
        %add3A_142 = arith.addi %get3A_139, %add3A_141 : vector<16xi32>
        tpu.vector_store_idx %arg18[%add3A_142], %broadcast_in_dim3A_48 {add = true} : memref<9216xf32, #tpu.memory_space<vmem>>[vector<16xi32>], vector<16xf32>,
        %get3A_143 = arith.constant 16 : index
        %get3A_144 = tpu.vector_load %arg13[%get3A_143] {strides = array<i32>} : memref<128xi32, #tpu.memory_space<vmem>>, vector<16xi32>,
        tpu.vector_store_idx %arg18[%get3A_144], %broadcast_in_dim3A_48 {add = true} : memref<9216xf32, #tpu.memory_space<vmem>>[vector<16xi32>], vector<16xf32>,
        %get3A_145 = arith.constant 16 : index
        %get3A_146 = tpu.vector_load %arg15[%get3A_145] {strides = array<i32>} : memref<128xi32, #tpu.memory_space<vmem>>, vector<16xi32>,
        %add3A_147 = arith.constant 8192 : i32
        %add3A_148 = vector.broadcast %add3A_147 : i32 to vector<16xi32>
        %add3A_149 = arith.addi %get3A_146, %add3A_148 : vector<16xi32>
        tpu.vector_store_idx %arg18[%add3A_149], %broadcast_in_dim3A_48 {add = true} : memref<9216xf32, #tpu.memory_space<vmem>>[vector<16xi32>], vector<16xf32>,
        %get3A_150 = arith.constant 32 : index
        %get3A_151 = tpu.vector_load %arg13[%get3A_150] {strides = array<i32>} : memref<128xi32, #tpu.memory_space<vmem>>, vector<16xi32>,
        tpu.vector_store_idx %arg18[%get3A_151], %broadcast_in_dim3A_48 {add = true} : memref<9216xf32, #tpu.memory_space<vmem>>[vector<16xi32>], vector<16xf32>,
        %get3A_152 = arith.constant 32 : index
        %get3A_153 = tpu.vector_load %arg15[%get3A_152] {strides = array<i32>} : memref<128xi32, #tpu.memory_space<vmem>>, vector<16xi32>,
        %add3A_154 = arith.constant 8192 : i32
        %add3A_155 = vector.broadcast %add3A_154 : i32 to vector<16xi32>
        %add3A_156 = arith.addi %get3A_153, %add3A_155 : vector<16xi32>
        tpu.vector_store_idx %arg18[%add3A_156], %broadcast_in_dim3A_48 {add = true} : memref<9216xf32, #tpu.memory_space<vmem>>[vector<16xi32>], vector<16xf32>,
        %get3A_157 = arith.constant 48 : index
        %get3A_158 = tpu.vector_load %arg13[%get3A_157] {strides = array<i32>} : memref<128xi32, #tpu.memory_space<vmem>>, vector<16xi32>,
        tpu.vector_store_idx %arg18[%get3A_158], %broadcast_in_dim3A_48 {add = true} : memref<9216xf32, #tpu.memory_space<vmem>>[vector<16xi32>], vector<16xf32>,
        %get3A_159 = arith.constant 48 : index
        %get3A_160 = tpu.vector_load %arg15[%get3A_159] {strides = array<i32>} : memref<128xi32, #tpu.memory_space<vmem>>, vector<16xi32>,
        %add3A_161 = arith.constant 8192 : i32
        %add3A_162 = vector.broadcast %add3A_161 : i32 to vector<16xi32>
        %add3A_163 = arith.addi %get3A_160, %add3A_162 : vector<16xi32>
        tpu.vector_store_idx %arg18[%add3A_163], %broadcast_in_dim3A_48 {add = true} : memref<9216xf32, #tpu.memory_space<vmem>>[vector<16xi32>], vector<16xf32>,
        %get3A_164 = arith.constant 64 : index
        %get3A_165 = tpu.vector_load %arg13[%get3A_164] {strides = array<i32>} : memref<128xi32, #tpu.memory_space<vmem>>, vector<16xi32>,
        tpu.vector_store_idx %arg18[%get3A_165], %broadcast_in_dim3A_48 {add = true} : memref<9216xf32, #tpu.memory_space<vmem>>[vector<16xi32>], vector<16xf32>,
        %get3A_166 = arith.constant 64 : index
        %get3A_167 = tpu.vector_load %arg15[%get3A_166] {strides = array<i32>} : memref<128xi32, #tpu.memory_space<vmem>>, vector<16xi32>,
        %add3A_168 = arith.constant 8192 : i32
        %add3A_169 = vector.broadcast %add3A_168 : i32 to vector<16xi32>
        %add3A_170 = arith.addi %get3A_167, %add3A_169 : vector<16xi32>
        tpu.vector_store_idx %arg18[%add3A_170], %broadcast_in_dim3A_48 {add = true} : memref<9216xf32, #tpu.memory_space<vmem>>[vector<16xi32>], vector<16xf32>,
        %get3A_171 = arith.constant 80 : index
        %get3A_172 = tpu.vector_load %arg13[%get3A_171] {strides = array<i32>} : memref<128xi32, #tpu.memory_space<vmem>>, vector<16xi32>,
        tpu.vector_store_idx %arg18[%get3A_172], %broadcast_in_dim3A_48 {add = true} : memref<9216xf32, #tpu.memory_space<vmem>>[vector<16xi32>], vector<16xf32>,
        %get3A_173 = arith.constant 80 : index
        %get3A_174 = tpu.vector_load %arg15[%get3A_173] {strides = array<i32>} : memref<128xi32, #tpu.memory_space<vmem>>, vector<16xi32>,
        %add3A_175 = arith.constant 8192 : i32
        %add3A_176 = vector.broadcast %add3A_175 : i32 to vector<16xi32>
        %add3A_177 = arith.addi %get3A_174, %add3A_176 : vector<16xi32>
        tpu.vector_store_idx %arg18[%add3A_177], %broadcast_in_dim3A_48 {add = true} : memref<9216xf32, #tpu.memory_space<vmem>>[vector<16xi32>], vector<16xf32>,
        %get3A_178 = arith.constant 96 : index
        %get3A_179 = tpu.vector_load %arg13[%get3A_178] {strides = array<i32>} : memref<128xi32, #tpu.memory_space<vmem>>, vector<16xi32>,
        tpu.vector_store_idx %arg18[%get3A_179], %broadcast_in_dim3A_48 {add = true} : memref<9216xf32, #tpu.memory_space<vmem>>[vector<16xi32>], vector<16xf32>,
        %get3A_180 = arith.constant 96 : index
        %get3A_181 = tpu.vector_load %arg15[%get3A_180] {strides = array<i32>} : memref<128xi32, #tpu.memory_space<vmem>>, vector<16xi32>,
        %add3A_182 = arith.constant 8192 : i32
        %add3A_183 = vector.broadcast %add3A_182 : i32 to vector<16xi32>
        %add3A_184 = arith.addi %get3A_181, %add3A_183 : vector<16xi32>
        tpu.vector_store_idx %arg18[%add3A_184], %broadcast_in_dim3A_48 {add = true} : memref<9216xf32, #tpu.memory_space<vmem>>[vector<16xi32>], vector<16xf32>,
        %get3A_185 = arith.constant 112 : index
        %get3A_186 = tpu.vector_load %arg13[%get3A_185] {strides = array<i32>} : memref<128xi32, #tpu.memory_space<vmem>>, vector<16xi32>,
        tpu.vector_store_idx %arg18[%get3A_186], %broadcast_in_dim3A_48 {add = true} : memref<9216xf32, #tpu.memory_space<vmem>>[vector<16xi32>], vector<16xf32>,
        %get3A_187 = arith.constant 112 : index
        %get3A_188 = tpu.vector_load %arg15[%get3A_187] {strides = array<i32>} : memref<128xi32, #tpu.memory_space<vmem>>, vector<16xi32>,
        %add3A_189 = arith.constant 8192 : i32
        %add3A_190 = vector.broadcast %add3A_189 : i32 to vector<16xi32>
        %add3A_191 = arith.addi %get3A_188, %add3A_190 : vector<16xi32>
        tpu.vector_store_idx %arg18[%add3A_191], %broadcast_in_dim3A_48 {add = true} : memref<9216xf32, #tpu.memory_space<vmem>>[vector<16xi32>], vector<16xf32>,
        %dma_start3A_192 = arith.constant 0 : i32
        %dma_start3A_193 = arith.constant 0 : i32
        %dma_start3A_194 = tpu.memref_slice %arg19[%dma_start3A_192, %dma_start3A_193] : memref<8192x128xf32, #tpu.memory_space<vmem_shared>> -> memref<8192x128xf32, #tpu.memory_space<vmem_shared>>
        tpu.enqueue_indirect_dma source(%arg10 : memref<128x128xf32, #tpu.memory_space<vmem>>) target(%dma_start3A_194 : memref<8192x128xf32, #tpu.memory_space<vmem_shared>>) offsets(%arg13 : memref<128xi32, #tpu.memory_space<vmem>>) semaphore(%arg24 : memref<!tpu.dma_semaphore, #tpu.memory_space<semaphore_mem>>) {add = true}
        %dma_start3A_195 = arith.constant 0 : i32
        %dma_start3A_196 = arith.constant 0 : i32
        %dma_start3A_197 = tpu.memref_slice %arg20[%dma_start3A_195, %dma_start3A_196] : memref<1024x128xf32, #tpu.memory_space<vmem_shared>> -> memref<1024x128xf32, #tpu.memory_space<vmem_shared>>
        tpu.enqueue_indirect_dma source(%arg10 : memref<128x128xf32, #tpu.memory_space<vmem>>) target(%dma_start3A_197 : memref<1024x128xf32, #tpu.memory_space<vmem_shared>>) offsets(%arg15 : memref<128xi32, #tpu.memory_space<vmem>>) semaphore(%arg24 : memref<!tpu.dma_semaphore, #tpu.memory_space<semaphore_mem>>) {add = true}
      } else {
      }
    }
    %while3A_69 = arith.constant 1 : i32
    scf.for %while3A_94 = %while3A_67 to %while3A_63 step %while3A_69  : i32 {
      %sub3A_95 = arith.subi %while3A_94, %select_n3A : i32
      %jit3A_96 = arith.constant 2 : i32
      %eq3A_97 = arith.constant 0 : i32
      %eq3A_98 = arith.cmpi eq, %jit3A_96, %eq3A_97 : i32
      %jit3A_99 = arith.constant 1 : i32
      %select_n3A_100 = arith.select %eq3A_98, %jit3A_99, %jit3A_96 : i32
      %rem3A_101 = arith.remsi %sub3A_95, %select_n3A_100 : i32
      %ne3A_102 = arith.constant 0 : i32
      %ne3A_103 = arith.cmpi ne, %rem3A_101, %ne3A_102 : i32
      %lt3A = arith.constant 0 : i32
      %lt3A_104 = arith.cmpi slt, %rem3A_101, %lt3A : i32
      %lt3A_105 = arith.constant 0 : i32
      %lt3A_106 = arith.cmpi slt, %select_n3A_100, %lt3A_105 : i32
      %ne3A_107 = arith.xori %lt3A_104, %lt3A_106 : i1
      %and3A_108 = arith.andi %ne3A_107, %ne3A_103 : i1
      %add3A_109 = arith.addi %rem3A_101, %select_n3A_100 : i32
      %select_n3A_110 = arith.select %and3A_108, %add3A_109, %rem3A_101 : i32
      %eq3A_111 = arith.constant 0 : i32
      %eq3A_112 = arith.cmpi eq, %select_n3A_110, %eq3A_111 : i32
      %convert_element_type3A_113 = arith.extui %eq3A_112 : i1 to i32
      %cond3A_114 = arith.constant 0 : i32
      %cond3A_115 = arith.cmpi ne, %convert_element_type3A_113, %cond3A_114 : i32
      scf.if %cond3A_115 {
        %add3A_121 = arith.constant 1 : i32
        %add3A_122 = arith.addi %while3A_94, %add3A_121 : i32
        %lt3A_123 = arith.cmpi slt, %add3A_122, %min3A_47 : i32
        %convert_element_type3A_124 = arith.extui %lt3A_123 : i1 to i32
        %cond3A_125 = arith.constant 0 : i32
        %cond3A_126 = arith.cmpi ne, %convert_element_type3A_124, %cond3A_125 : i32
        scf.if %cond3A_126 {
          %sub3A_198 = arith.constant 1 : i32
          %sub3A_199 = arith.subi %while3A_94, %sub3A_198 : i32
          %ge3A = arith.cmpi sge, %sub3A_199, %select_n3A : i32
          %convert_element_type3A_200 = arith.extui %ge3A : i1 to i32
          %cond3A_201 = arith.constant 0 : i32
          %cond3A_202 = arith.cmpi ne, %convert_element_type3A_200, %cond3A_201 : i32
          scf.if %cond3A_202 {
            %dma_wait3A_215 = arith.constant 0 : i32
            %dma_wait3A_216 = arith.constant 0 : i32
            %dma_wait3A_217 = tpu.memref_slice %arg19[%dma_wait3A_215, %dma_wait3A_216] : memref<8192x128xf32, #tpu.memory_space<vmem_shared>> -> memref<8192x128xf32, #tpu.memory_space<vmem_shared>>
            tpu.wait_indirect_dma semaphore(%arg24 : memref<!tpu.dma_semaphore, #tpu.memory_space<semaphore_mem>>) src(%arg10 : memref<128x128xf32, #tpu.memory_space<vmem>>) dst(%dma_wait3A_217 : memref<8192x128xf32, #tpu.memory_space<vmem_shared>>)
            %dma_wait3A_218 = arith.constant 0 : i32
            %dma_wait3A_219 = arith.constant 0 : i32
            %dma_wait3A_220 = tpu.memref_slice %arg20[%dma_wait3A_218, %dma_wait3A_219] : memref<1024x128xf32, #tpu.memory_space<vmem_shared>> -> memref<1024x128xf32, #tpu.memory_space<vmem_shared>>
            tpu.wait_indirect_dma semaphore(%arg24 : memref<!tpu.dma_semaphore, #tpu.memory_space<semaphore_mem>>) src(%arg10 : memref<128x128xf32, #tpu.memory_space<vmem>>) dst(%dma_wait3A_220 : memref<1024x128xf32, #tpu.memory_space<vmem_shared>>)
          } else {
          }
          %add3A_203 = arith.constant 1 : i32
          %add3A_204 = arith.addi %while3A_94, %add3A_203 : i32
          %mul3A_205 = arith.constant 128 : i32
          %mul3A_206 = arith.muli %add3A_204, %mul3A_205 : i32
          %dma_start3A_207 = arith.constant 0 : i32
          %dma_start3A_208 = tpu.memref_slice %arg2[%mul3A_206, %dma_start3A_207] : memref<100000x128xf32, #tpu.memory_space<hbm>> -> memref<128x128xf32, #tpu.memory_space<hbm>>
          %dma_start3A_209 = arith.constant 0 : i32
          %dma_start3A_210 = tpu.memref_slice %arg2[%mul3A_206, %dma_start3A_209] : memref<100000x128xf32, #tpu.memory_space<hbm>> -> memref<128x128xf32, #tpu.memory_space<hbm>>
          tpu.enqueue_dma source(%dma_start3A_210 : memref<128x128xf32, #tpu.memory_space<hbm>>) target(%arg10 : memref<128x128xf32, #tpu.memory_space<vmem>>) target_semaphore(%arg22 : memref<!tpu.dma_semaphore, #tpu.memory_space<semaphore_mem>>)
          %dma_start3A_211 = tpu.memref_slice %arg3[%mul3A_206] : memref<100000xi32, #tpu.memory_space<hbm>> -> memref<128xi32, #tpu.memory_space<hbm>>
          %dma_start3A_212 = tpu.memref_slice %arg3[%mul3A_206] : memref<100000xi32, #tpu.memory_space<hbm>> -> memref<128xi32, #tpu.memory_space<hbm>>
          tpu.enqueue_dma source(%dma_start3A_212 : memref<128xi32, #tpu.memory_space<hbm>>) target(%arg13 : memref<128xi32, #tpu.memory_space<vmem>>) target_semaphore(%arg22 : memref<!tpu.dma_semaphore, #tpu.memory_space<semaphore_mem>>)
          %dma_start3A_213 = tpu.memref_slice %arg4[%mul3A_206] : memref<100000xi32, #tpu.memory_space<hbm>> -> memref<128xi32, #tpu.memory_space<hbm>>
          %dma_start3A_214 = tpu.memref_slice %arg4[%mul3A_206] : memref<100000xi32, #tpu.memory_space<hbm>> -> memref<128xi32, #tpu.memory_space<hbm>>
          tpu.enqueue_dma source(%dma_start3A_214 : memref<128xi32, #tpu.memory_space<hbm>>) target(%arg15 : memref<128xi32, #tpu.memory_space<vmem>>) target_semaphore(%arg22 : memref<!tpu.dma_semaphore, #tpu.memory_space<semaphore_mem>>)
        } else {
        }
        %mul3A_127 = arith.constant 128 : i32
        %mul3A_128 = arith.muli %while3A_94, %mul3A_127 : i32
        %dma_wait3A_129 = arith.constant 0 : i32
        %dma_wait3A_130 = tpu.memref_slice %arg2[%mul3A_128, %dma_wait3A_129] : memref<100000x128xf32, #tpu.memory_space<hbm>> -> memref<128x128xf32, #tpu.memory_space<hbm>>
        %dma_wait3A_131 = arith.constant 0 : i32
        %dma_wait3A_132 = tpu.memref_slice %arg2[%mul3A_128, %dma_wait3A_131] : memref<100000x128xf32, #tpu.memory_space<hbm>> -> memref<128x128xf32, #tpu.memory_space<hbm>>
        tpu.wait_dma2 semaphore(%arg21 : memref<!tpu.dma_semaphore, #tpu.memory_space<semaphore_mem>>) src(%dma_wait3A_132 : memref<128x128xf32, #tpu.memory_space<hbm>>) dst(%arg9 : memref<128x128xf32, #tpu.memory_space<vmem>>)
        %dma_wait3A_133 = tpu.memref_slice %arg3[%mul3A_128] : memref<100000xi32, #tpu.memory_space<hbm>> -> memref<128xi32, #tpu.memory_space<hbm>>
        %dma_wait3A_134 = tpu.memref_slice %arg3[%mul3A_128] : memref<100000xi32, #tpu.memory_space<hbm>> -> memref<128xi32, #tpu.memory_space<hbm>>
        tpu.wait_dma2 semaphore(%arg21 : memref<!tpu.dma_semaphore, #tpu.memory_space<semaphore_mem>>) src(%dma_wait3A_134 : memref<128xi32, #tpu.memory_space<hbm>>) dst(%arg12 : memref<128xi32, #tpu.memory_space<vmem>>)
        %dma_wait3A_135 = tpu.memref_slice %arg4[%mul3A_128] : memref<100000xi32, #tpu.memory_space<hbm>> -> memref<128xi32, #tpu.memory_space<hbm>>
        %dma_wait3A_136 = tpu.memref_slice %arg4[%mul3A_128] : memref<100000xi32, #tpu.memory_space<hbm>> -> memref<128xi32, #tpu.memory_space<hbm>>
        tpu.wait_dma2 semaphore(%arg21 : memref<!tpu.dma_semaphore, #tpu.memory_space<semaphore_mem>>) src(%dma_wait3A_136 : memref<128xi32, #tpu.memory_space<hbm>>) dst(%arg14 : memref<128xi32, #tpu.memory_space<vmem>>)
        %get3A = arith.constant 0 : index
        %get3A_137 = tpu.vector_load %arg12[%get3A] {strides = array<i32>} : memref<128xi32, #tpu.memory_space<vmem>>, vector<16xi32>,
        tpu.vector_store_idx %arg18[%get3A_137], %broadcast_in_dim3A_48 {add = true} : memref<9216xf32, #tpu.memory_space<vmem>>[vector<16xi32>], vector<16xf32>,
        %get3A_138 = arith.constant 0 : index
        %get3A_139 = tpu.vector_load %arg14[%get3A_138] {strides = array<i32>} : memref<128xi32, #tpu.memory_space<vmem>>, vector<16xi32>,
        %add3A_140 = arith.constant 8192 : i32
        %add3A_141 = vector.broadcast %add3A_140 : i32 to vector<16xi32>
        %add3A_142 = arith.addi %get3A_139, %add3A_141 : vector<16xi32>
        tpu.vector_store_idx %arg18[%add3A_142], %broadcast_in_dim3A_48 {add = true} : memref<9216xf32, #tpu.memory_space<vmem>>[vector<16xi32>], vector<16xf32>,
        %get3A_143 = arith.constant 16 : index
        %get3A_144 = tpu.vector_load %arg12[%get3A_143] {strides = array<i32>} : memref<128xi32, #tpu.memory_space<vmem>>, vector<16xi32>,
        tpu.vector_store_idx %arg18[%get3A_144], %broadcast_in_dim3A_48 {add = true} : memref<9216xf32, #tpu.memory_space<vmem>>[vector<16xi32>], vector<16xf32>,
        %get3A_145 = arith.constant 16 : index
        %get3A_146 = tpu.vector_load %arg14[%get3A_145] {strides = array<i32>} : memref<128xi32, #tpu.memory_space<vmem>>, vector<16xi32>,
        %add3A_147 = arith.constant 8192 : i32
        %add3A_148 = vector.broadcast %add3A_147 : i32 to vector<16xi32>
        %add3A_149 = arith.addi %get3A_146, %add3A_148 : vector<16xi32>
        tpu.vector_store_idx %arg18[%add3A_149], %broadcast_in_dim3A_48 {add = true} : memref<9216xf32, #tpu.memory_space<vmem>>[vector<16xi32>], vector<16xf32>,
        %get3A_150 = arith.constant 32 : index
        %get3A_151 = tpu.vector_load %arg12[%get3A_150] {strides = array<i32>} : memref<128xi32, #tpu.memory_space<vmem>>, vector<16xi32>,
        tpu.vector_store_idx %arg18[%get3A_151], %broadcast_in_dim3A_48 {add = true} : memref<9216xf32, #tpu.memory_space<vmem>>[vector<16xi32>], vector<16xf32>,
        %get3A_152 = arith.constant 32 : index
        %get3A_153 = tpu.vector_load %arg14[%get3A_152] {strides = array<i32>} : memref<128xi32, #tpu.memory_space<vmem>>, vector<16xi32>,
        %add3A_154 = arith.constant 8192 : i32
        %add3A_155 = vector.broadcast %add3A_154 : i32 to vector<16xi32>
        %add3A_156 = arith.addi %get3A_153, %add3A_155 : vector<16xi32>
        tpu.vector_store_idx %arg18[%add3A_156], %broadcast_in_dim3A_48 {add = true} : memref<9216xf32, #tpu.memory_space<vmem>>[vector<16xi32>], vector<16xf32>,
        %get3A_157 = arith.constant 48 : index
        %get3A_158 = tpu.vector_load %arg12[%get3A_157] {strides = array<i32>} : memref<128xi32, #tpu.memory_space<vmem>>, vector<16xi32>,
        tpu.vector_store_idx %arg18[%get3A_158], %broadcast_in_dim3A_48 {add = true} : memref<9216xf32, #tpu.memory_space<vmem>>[vector<16xi32>], vector<16xf32>,
        %get3A_159 = arith.constant 48 : index
        %get3A_160 = tpu.vector_load %arg14[%get3A_159] {strides = array<i32>} : memref<128xi32, #tpu.memory_space<vmem>>, vector<16xi32>,
        %add3A_161 = arith.constant 8192 : i32
        %add3A_162 = vector.broadcast %add3A_161 : i32 to vector<16xi32>
        %add3A_163 = arith.addi %get3A_160, %add3A_162 : vector<16xi32>
        tpu.vector_store_idx %arg18[%add3A_163], %broadcast_in_dim3A_48 {add = true} : memref<9216xf32, #tpu.memory_space<vmem>>[vector<16xi32>], vector<16xf32>,
        %get3A_164 = arith.constant 64 : index
        %get3A_165 = tpu.vector_load %arg12[%get3A_164] {strides = array<i32>} : memref<128xi32, #tpu.memory_space<vmem>>, vector<16xi32>,
        tpu.vector_store_idx %arg18[%get3A_165], %broadcast_in_dim3A_48 {add = true} : memref<9216xf32, #tpu.memory_space<vmem>>[vector<16xi32>], vector<16xf32>,
        %get3A_166 = arith.constant 64 : index
        %get3A_167 = tpu.vector_load %arg14[%get3A_166] {strides = array<i32>} : memref<128xi32, #tpu.memory_space<vmem>>, vector<16xi32>,
        %add3A_168 = arith.constant 8192 : i32
        %add3A_169 = vector.broadcast %add3A_168 : i32 to vector<16xi32>
        %add3A_170 = arith.addi %get3A_167, %add3A_169 : vector<16xi32>
        tpu.vector_store_idx %arg18[%add3A_170], %broadcast_in_dim3A_48 {add = true} : memref<9216xf32, #tpu.memory_space<vmem>>[vector<16xi32>], vector<16xf32>,
        %get3A_171 = arith.constant 80 : index
        %get3A_172 = tpu.vector_load %arg12[%get3A_171] {strides = array<i32>} : memref<128xi32, #tpu.memory_space<vmem>>, vector<16xi32>,
        tpu.vector_store_idx %arg18[%get3A_172], %broadcast_in_dim3A_48 {add = true} : memref<9216xf32, #tpu.memory_space<vmem>>[vector<16xi32>], vector<16xf32>,
        %get3A_173 = arith.constant 80 : index
        %get3A_174 = tpu.vector_load %arg14[%get3A_173] {strides = array<i32>} : memref<128xi32, #tpu.memory_space<vmem>>, vector<16xi32>,
        %add3A_175 = arith.constant 8192 : i32
        %add3A_176 = vector.broadcast %add3A_175 : i32 to vector<16xi32>
        %add3A_177 = arith.addi %get3A_174, %add3A_176 : vector<16xi32>
        tpu.vector_store_idx %arg18[%add3A_177], %broadcast_in_dim3A_48 {add = true} : memref<9216xf32, #tpu.memory_space<vmem>>[vector<16xi32>], vector<16xf32>,
        %get3A_178 = arith.constant 96 : index
        %get3A_179 = tpu.vector_load %arg12[%get3A_178] {strides = array<i32>} : memref<128xi32, #tpu.memory_space<vmem>>, vector<16xi32>,
        tpu.vector_store_idx %arg18[%get3A_179], %broadcast_in_dim3A_48 {add = true} : memref<9216xf32, #tpu.memory_space<vmem>>[vector<16xi32>], vector<16xf32>,
        %get3A_180 = arith.constant 96 : index
        %get3A_181 = tpu.vector_load %arg14[%get3A_180] {strides = array<i32>} : memref<128xi32, #tpu.memory_space<vmem>>, vector<16xi32>,
        %add3A_182 = arith.constant 8192 : i32
        %add3A_183 = vector.broadcast %add3A_182 : i32 to vector<16xi32>
        %add3A_184 = arith.addi %get3A_181, %add3A_183 : vector<16xi32>
        tpu.vector_store_idx %arg18[%add3A_184], %broadcast_in_dim3A_48 {add = true} : memref<9216xf32, #tpu.memory_space<vmem>>[vector<16xi32>], vector<16xf32>,
        %get3A_185 = arith.constant 112 : index
        %get3A_186 = tpu.vector_load %arg12[%get3A_185] {strides = array<i32>} : memref<128xi32, #tpu.memory_space<vmem>>, vector<16xi32>,
        tpu.vector_store_idx %arg18[%get3A_186], %broadcast_in_dim3A_48 {add = true} : memref<9216xf32, #tpu.memory_space<vmem>>[vector<16xi32>], vector<16xf32>,
        %get3A_187 = arith.constant 112 : index
        %get3A_188 = tpu.vector_load %arg14[%get3A_187] {strides = array<i32>} : memref<128xi32, #tpu.memory_space<vmem>>, vector<16xi32>,
        %add3A_189 = arith.constant 8192 : i32
        %add3A_190 = vector.broadcast %add3A_189 : i32 to vector<16xi32>
        %add3A_191 = arith.addi %get3A_188, %add3A_190 : vector<16xi32>
        tpu.vector_store_idx %arg18[%add3A_191], %broadcast_in_dim3A_48 {add = true} : memref<9216xf32, #tpu.memory_space<vmem>>[vector<16xi32>], vector<16xf32>,
        %dma_start3A_192 = arith.constant 0 : i32
        %dma_start3A_193 = arith.constant 0 : i32
        %dma_start3A_194 = tpu.memref_slice %arg19[%dma_start3A_192, %dma_start3A_193] : memref<8192x128xf32, #tpu.memory_space<vmem_shared>> -> memref<8192x128xf32, #tpu.memory_space<vmem_shared>>
        tpu.enqueue_indirect_dma source(%arg9 : memref<128x128xf32, #tpu.memory_space<vmem>>) target(%dma_start3A_194 : memref<8192x128xf32, #tpu.memory_space<vmem_shared>>) offsets(%arg12 : memref<128xi32, #tpu.memory_space<vmem>>) semaphore(%arg23 : memref<!tpu.dma_semaphore, #tpu.memory_space<semaphore_mem>>) {add = true}
        %dma_start3A_195 = arith.constant 0 : i32
        %dma_start3A_196 = arith.constant 0 : i32
        %dma_start3A_197 = tpu.memref_slice %arg20[%dma_start3A_195, %dma_start3A_196] : memref<1024x128xf32, #tpu.memory_space<vmem_shared>> -> memref<1024x128xf32, #tpu.memory_space<vmem_shared>>
        tpu.enqueue_indirect_dma source(%arg9 : memref<128x128xf32, #tpu.memory_space<vmem>>) target(%dma_start3A_197 : memref<1024x128xf32, #tpu.memory_space<vmem_shared>>) offsets(%arg14 : memref<128xi32, #tpu.memory_space<vmem>>) semaphore(%arg23 : memref<!tpu.dma_semaphore, #tpu.memory_space<semaphore_mem>>) {add = true}
      } else {
      }
      %eq3A_116 = arith.constant 1 : i32
      %eq3A_117 = arith.cmpi eq, %select_n3A_110, %eq3A_116 : i32
      %convert_element_type3A_118 = arith.extui %eq3A_117 : i1 to i32
      %cond3A_119 = arith.constant 0 : i32
      %cond3A_120 = arith.cmpi ne, %convert_element_type3A_118, %cond3A_119 : i32
      scf.if %cond3A_120 {
        %add3A_121 = arith.constant 1 : i32
        %add3A_122 = arith.addi %while3A_94, %add3A_121 : i32
        %lt3A_123 = arith.cmpi slt, %add3A_122, %min3A_47 : i32
        %convert_element_type3A_124 = arith.extui %lt3A_123 : i1 to i32
        %cond3A_125 = arith.constant 0 : i32
        %cond3A_126 = arith.cmpi ne, %convert_element_type3A_124, %cond3A_125 : i32
        scf.if %cond3A_126 {
          %sub3A_198 = arith.constant 1 : i32
          %sub3A_199 = arith.subi %while3A_94, %sub3A_198 : i32
          %ge3A = arith.cmpi sge, %sub3A_199, %select_n3A : i32
          %convert_element_type3A_200 = arith.extui %ge3A : i1 to i32
          %cond3A_201 = arith.constant 0 : i32
          %cond3A_202 = arith.cmpi ne, %convert_element_type3A_200, %cond3A_201 : i32
          scf.if %cond3A_202 {
            %dma_wait3A_215 = arith.constant 0 : i32
            %dma_wait3A_216 = arith.constant 0 : i32
            %dma_wait3A_217 = tpu.memref_slice %arg19[%dma_wait3A_215, %dma_wait3A_216] : memref<8192x128xf32, #tpu.memory_space<vmem_shared>> -> memref<8192x128xf32, #tpu.memory_space<vmem_shared>>
            tpu.wait_indirect_dma semaphore(%arg23 : memref<!tpu.dma_semaphore, #tpu.memory_space<semaphore_mem>>) src(%arg9 : memref<128x128xf32, #tpu.memory_space<vmem>>) dst(%dma_wait3A_217 : memref<8192x128xf32, #tpu.memory_space<vmem_shared>>)
            %dma_wait3A_218 = arith.constant 0 : i32
            %dma_wait3A_219 = arith.constant 0 : i32
            %dma_wait3A_220 = tpu.memref_slice %arg20[%dma_wait3A_218, %dma_wait3A_219] : memref<1024x128xf32, #tpu.memory_space<vmem_shared>> -> memref<1024x128xf32, #tpu.memory_space<vmem_shared>>
            tpu.wait_indirect_dma semaphore(%arg23 : memref<!tpu.dma_semaphore, #tpu.memory_space<semaphore_mem>>) src(%arg9 : memref<128x128xf32, #tpu.memory_space<vmem>>) dst(%dma_wait3A_220 : memref<1024x128xf32, #tpu.memory_space<vmem_shared>>)
          } else {
          }
          %add3A_203 = arith.constant 1 : i32
          %add3A_204 = arith.addi %while3A_94, %add3A_203 : i32
          %mul3A_205 = arith.constant 128 : i32
          %mul3A_206 = arith.muli %add3A_204, %mul3A_205 : i32
          %dma_start3A_207 = arith.constant 0 : i32
          %dma_start3A_208 = tpu.memref_slice %arg2[%mul3A_206, %dma_start3A_207] : memref<100000x128xf32, #tpu.memory_space<hbm>> -> memref<128x128xf32, #tpu.memory_space<hbm>>
          %dma_start3A_209 = arith.constant 0 : i32
          %dma_start3A_210 = tpu.memref_slice %arg2[%mul3A_206, %dma_start3A_209] : memref<100000x128xf32, #tpu.memory_space<hbm>> -> memref<128x128xf32, #tpu.memory_space<hbm>>
          tpu.enqueue_dma source(%dma_start3A_210 : memref<128x128xf32, #tpu.memory_space<hbm>>) target(%arg9 : memref<128x128xf32, #tpu.memory_space<vmem>>) target_semaphore(%arg21 : memref<!tpu.dma_semaphore, #tpu.memory_space<semaphore_mem>>)
          %dma_start3A_211 = tpu.memref_slice %arg3[%mul3A_206] : memref<100000xi32, #tpu.memory_space<hbm>> -> memref<128xi32, #tpu.memory_space<hbm>>
          %dma_start3A_212 = tpu.memref_slice %arg3[%mul3A_206] : memref<100000xi32, #tpu.memory_space<hbm>> -> memref<128xi32, #tpu.memory_space<hbm>>
          tpu.enqueue_dma source(%dma_start3A_212 : memref<128xi32, #tpu.memory_space<hbm>>) target(%arg12 : memref<128xi32, #tpu.memory_space<vmem>>) target_semaphore(%arg21 : memref<!tpu.dma_semaphore, #tpu.memory_space<semaphore_mem>>)
          %dma_start3A_213 = tpu.memref_slice %arg4[%mul3A_206] : memref<100000xi32, #tpu.memory_space<hbm>> -> memref<128xi32, #tpu.memory_space<hbm>>
          %dma_start3A_214 = tpu.memref_slice %arg4[%mul3A_206] : memref<100000xi32, #tpu.memory_space<hbm>> -> memref<128xi32, #tpu.memory_space<hbm>>
          tpu.enqueue_dma source(%dma_start3A_214 : memref<128xi32, #tpu.memory_space<hbm>>) target(%arg14 : memref<128xi32, #tpu.memory_space<vmem>>) target_semaphore(%arg21 : memref<!tpu.dma_semaphore, #tpu.memory_space<semaphore_mem>>)
        } else {
        }
        %mul3A_127 = arith.constant 128 : i32
        %mul3A_128 = arith.muli %while3A_94, %mul3A_127 : i32
        %dma_wait3A_129 = arith.constant 0 : i32
        %dma_wait3A_130 = tpu.memref_slice %arg2[%mul3A_128, %dma_wait3A_129] : memref<100000x128xf32, #tpu.memory_space<hbm>> -> memref<128x128xf32, #tpu.memory_space<hbm>>
        %dma_wait3A_131 = arith.constant 0 : i32
        %dma_wait3A_132 = tpu.memref_slice %arg2[%mul3A_128, %dma_wait3A_131] : memref<100000x128xf32, #tpu.memory_space<hbm>> -> memref<128x128xf32, #tpu.memory_space<hbm>>
        tpu.wait_dma2 semaphore(%arg22 : memref<!tpu.dma_semaphore, #tpu.memory_space<semaphore_mem>>) src(%dma_wait3A_132 : memref<128x128xf32, #tpu.memory_space<hbm>>) dst(%arg10 : memref<128x128xf32, #tpu.memory_space<vmem>>)
        %dma_wait3A_133 = tpu.memref_slice %arg3[%mul3A_128] : memref<100000xi32, #tpu.memory_space<hbm>> -> memref<128xi32, #tpu.memory_space<hbm>>
        %dma_wait3A_134 = tpu.memref_slice %arg3[%mul3A_128] : memref<100000xi32, #tpu.memory_space<hbm>> -> memref<128xi32, #tpu.memory_space<hbm>>
        tpu.wait_dma2 semaphore(%arg22 : memref<!tpu.dma_semaphore, #tpu.memory_space<semaphore_mem>>) src(%dma_wait3A_134 : memref<128xi32, #tpu.memory_space<hbm>>) dst(%arg13 : memref<128xi32, #tpu.memory_space<vmem>>)
        %dma_wait3A_135 = tpu.memref_slice %arg4[%mul3A_128] : memref<100000xi32, #tpu.memory_space<hbm>> -> memref<128xi32, #tpu.memory_space<hbm>>
        %dma_wait3A_136 = tpu.memref_slice %arg4[%mul3A_128] : memref<100000xi32, #tpu.memory_space<hbm>> -> memref<128xi32, #tpu.memory_space<hbm>>
        tpu.wait_dma2 semaphore(%arg22 : memref<!tpu.dma_semaphore, #tpu.memory_space<semaphore_mem>>) src(%dma_wait3A_136 : memref<128xi32, #tpu.memory_space<hbm>>) dst(%arg15 : memref<128xi32, #tpu.memory_space<vmem>>)
        %get3A = arith.constant 0 : index
        %get3A_137 = tpu.vector_load %arg13[%get3A] {strides = array<i32>} : memref<128xi32, #tpu.memory_space<vmem>>, vector<16xi32>,
        tpu.vector_store_idx %arg18[%get3A_137], %broadcast_in_dim3A_48 {add = true} : memref<9216xf32, #tpu.memory_space<vmem>>[vector<16xi32>], vector<16xf32>,
        %get3A_138 = arith.constant 0 : index
        %get3A_139 = tpu.vector_load %arg15[%get3A_138] {strides = array<i32>} : memref<128xi32, #tpu.memory_space<vmem>>, vector<16xi32>,
        %add3A_140 = arith.constant 8192 : i32
        %add3A_141 = vector.broadcast %add3A_140 : i32 to vector<16xi32>
        %add3A_142 = arith.addi %get3A_139, %add3A_141 : vector<16xi32>
        tpu.vector_store_idx %arg18[%add3A_142], %broadcast_in_dim3A_48 {add = true} : memref<9216xf32, #tpu.memory_space<vmem>>[vector<16xi32>], vector<16xf32>,
        %get3A_143 = arith.constant 16 : index
        %get3A_144 = tpu.vector_load %arg13[%get3A_143] {strides = array<i32>} : memref<128xi32, #tpu.memory_space<vmem>>, vector<16xi32>,
        tpu.vector_store_idx %arg18[%get3A_144], %broadcast_in_dim3A_48 {add = true} : memref<9216xf32, #tpu.memory_space<vmem>>[vector<16xi32>], vector<16xf32>,
        %get3A_145 = arith.constant 16 : index
        %get3A_146 = tpu.vector_load %arg15[%get3A_145] {strides = array<i32>} : memref<128xi32, #tpu.memory_space<vmem>>, vector<16xi32>,
        %add3A_147 = arith.constant 8192 : i32
        %add3A_148 = vector.broadcast %add3A_147 : i32 to vector<16xi32>
        %add3A_149 = arith.addi %get3A_146, %add3A_148 : vector<16xi32>
        tpu.vector_store_idx %arg18[%add3A_149], %broadcast_in_dim3A_48 {add = true} : memref<9216xf32, #tpu.memory_space<vmem>>[vector<16xi32>], vector<16xf32>,
        %get3A_150 = arith.constant 32 : index
        %get3A_151 = tpu.vector_load %arg13[%get3A_150] {strides = array<i32>} : memref<128xi32, #tpu.memory_space<vmem>>, vector<16xi32>,
        tpu.vector_store_idx %arg18[%get3A_151], %broadcast_in_dim3A_48 {add = true} : memref<9216xf32, #tpu.memory_space<vmem>>[vector<16xi32>], vector<16xf32>,
        %get3A_152 = arith.constant 32 : index
        %get3A_153 = tpu.vector_load %arg15[%get3A_152] {strides = array<i32>} : memref<128xi32, #tpu.memory_space<vmem>>, vector<16xi32>,
        %add3A_154 = arith.constant 8192 : i32
        %add3A_155 = vector.broadcast %add3A_154 : i32 to vector<16xi32>
        %add3A_156 = arith.addi %get3A_153, %add3A_155 : vector<16xi32>
        tpu.vector_store_idx %arg18[%add3A_156], %broadcast_in_dim3A_48 {add = true} : memref<9216xf32, #tpu.memory_space<vmem>>[vector<16xi32>], vector<16xf32>,
        %get3A_157 = arith.constant 48 : index
        %get3A_158 = tpu.vector_load %arg13[%get3A_157] {strides = array<i32>} : memref<128xi32, #tpu.memory_space<vmem>>, vector<16xi32>,
        tpu.vector_store_idx %arg18[%get3A_158], %broadcast_in_dim3A_48 {add = true} : memref<9216xf32, #tpu.memory_space<vmem>>[vector<16xi32>], vector<16xf32>,
        %get3A_159 = arith.constant 48 : index
        %get3A_160 = tpu.vector_load %arg15[%get3A_159] {strides = array<i32>} : memref<128xi32, #tpu.memory_space<vmem>>, vector<16xi32>,
        %add3A_161 = arith.constant 8192 : i32
        %add3A_162 = vector.broadcast %add3A_161 : i32 to vector<16xi32>
        %add3A_163 = arith.addi %get3A_160, %add3A_162 : vector<16xi32>
        tpu.vector_store_idx %arg18[%add3A_163], %broadcast_in_dim3A_48 {add = true} : memref<9216xf32, #tpu.memory_space<vmem>>[vector<16xi32>], vector<16xf32>,
        %get3A_164 = arith.constant 64 : index
        %get3A_165 = tpu.vector_load %arg13[%get3A_164] {strides = array<i32>} : memref<128xi32, #tpu.memory_space<vmem>>, vector<16xi32>,
        tpu.vector_store_idx %arg18[%get3A_165], %broadcast_in_dim3A_48 {add = true} : memref<9216xf32, #tpu.memory_space<vmem>>[vector<16xi32>], vector<16xf32>,
        %get3A_166 = arith.constant 64 : index
        %get3A_167 = tpu.vector_load %arg15[%get3A_166] {strides = array<i32>} : memref<128xi32, #tpu.memory_space<vmem>>, vector<16xi32>,
        %add3A_168 = arith.constant 8192 : i32
        %add3A_169 = vector.broadcast %add3A_168 : i32 to vector<16xi32>
        %add3A_170 = arith.addi %get3A_167, %add3A_169 : vector<16xi32>
        tpu.vector_store_idx %arg18[%add3A_170], %broadcast_in_dim3A_48 {add = true} : memref<9216xf32, #tpu.memory_space<vmem>>[vector<16xi32>], vector<16xf32>,
        %get3A_171 = arith.constant 80 : index
        %get3A_172 = tpu.vector_load %arg13[%get3A_171] {strides = array<i32>} : memref<128xi32, #tpu.memory_space<vmem>>, vector<16xi32>,
        tpu.vector_store_idx %arg18[%get3A_172], %broadcast_in_dim3A_48 {add = true} : memref<9216xf32, #tpu.memory_space<vmem>>[vector<16xi32>], vector<16xf32>,
        %get3A_173 = arith.constant 80 : index
        %get3A_174 = tpu.vector_load %arg15[%get3A_173] {strides = array<i32>} : memref<128xi32, #tpu.memory_space<vmem>>, vector<16xi32>,
        %add3A_175 = arith.constant 8192 : i32
        %add3A_176 = vector.broadcast %add3A_175 : i32 to vector<16xi32>
        %add3A_177 = arith.addi %get3A_174, %add3A_176 : vector<16xi32>
        tpu.vector_store_idx %arg18[%add3A_177], %broadcast_in_dim3A_48 {add = true} : memref<9216xf32, #tpu.memory_space<vmem>>[vector<16xi32>], vector<16xf32>,
        %get3A_178 = arith.constant 96 : index
        %get3A_179 = tpu.vector_load %arg13[%get3A_178] {strides = array<i32>} : memref<128xi32, #tpu.memory_space<vmem>>, vector<16xi32>,
        tpu.vector_store_idx %arg18[%get3A_179], %broadcast_in_dim3A_48 {add = true} : memref<9216xf32, #tpu.memory_space<vmem>>[vector<16xi32>], vector<16xf32>,
        %get3A_180 = arith.constant 96 : index
        %get3A_181 = tpu.vector_load %arg15[%get3A_180] {strides = array<i32>} : memref<128xi32, #tpu.memory_space<vmem>>, vector<16xi32>,
        %add3A_182 = arith.constant 8192 : i32
        %add3A_183 = vector.broadcast %add3A_182 : i32 to vector<16xi32>
        %add3A_184 = arith.addi %get3A_181, %add3A_183 : vector<16xi32>
        tpu.vector_store_idx %arg18[%add3A_184], %broadcast_in_dim3A_48 {add = true} : memref<9216xf32, #tpu.memory_space<vmem>>[vector<16xi32>], vector<16xf32>,
        %get3A_185 = arith.constant 112 : index
        %get3A_186 = tpu.vector_load %arg13[%get3A_185] {strides = array<i32>} : memref<128xi32, #tpu.memory_space<vmem>>, vector<16xi32>,
        tpu.vector_store_idx %arg18[%get3A_186], %broadcast_in_dim3A_48 {add = true} : memref<9216xf32, #tpu.memory_space<vmem>>[vector<16xi32>], vector<16xf32>,
        %get3A_187 = arith.constant 112 : index
        %get3A_188 = tpu.vector_load %arg15[%get3A_187] {strides = array<i32>} : memref<128xi32, #tpu.memory_space<vmem>>, vector<16xi32>,
        %add3A_189 = arith.constant 8192 : i32
        %add3A_190 = vector.broadcast %add3A_189 : i32 to vector<16xi32>
        %add3A_191 = arith.addi %get3A_188, %add3A_190 : vector<16xi32>
        tpu.vector_store_idx %arg18[%add3A_191], %broadcast_in_dim3A_48 {add = true} : memref<9216xf32, #tpu.memory_space<vmem>>[vector<16xi32>], vector<16xf32>,
        %dma_start3A_192 = arith.constant 0 : i32
        %dma_start3A_193 = arith.constant 0 : i32
        %dma_start3A_194 = tpu.memref_slice %arg19[%dma_start3A_192, %dma_start3A_193] : memref<8192x128xf32, #tpu.memory_space<vmem_shared>> -> memref<8192x128xf32, #tpu.memory_space<vmem_shared>>
        tpu.enqueue_indirect_dma source(%arg10 : memref<128x128xf32, #tpu.memory_space<vmem>>) target(%dma_start3A_194 : memref<8192x128xf32, #tpu.memory_space<vmem_shared>>) offsets(%arg13 : memref<128xi32, #tpu.memory_space<vmem>>) semaphore(%arg24 : memref<!tpu.dma_semaphore, #tpu.memory_space<semaphore_mem>>) {add = true}
        %dma_start3A_195 = arith.constant 0 : i32
        %dma_start3A_196 = arith.constant 0 : i32
        %dma_start3A_197 = tpu.memref_slice %arg20[%dma_start3A_195, %dma_start3A_196] : memref<1024x128xf32, #tpu.memory_space<vmem_shared>> -> memref<1024x128xf32, #tpu.memory_space<vmem_shared>>
        tpu.enqueue_indirect_dma source(%arg10 : memref<128x128xf32, #tpu.memory_space<vmem>>) target(%dma_start3A_197 : memref<1024x128xf32, #tpu.memory_space<vmem_shared>>) offsets(%arg15 : memref<128xi32, #tpu.memory_space<vmem>>) semaphore(%arg24 : memref<!tpu.dma_semaphore, #tpu.memory_space<semaphore_mem>>) {add = true}
      } else {
      }
    }
    %dma_wait3A = arith.constant 0 : i32
    %dma_wait3A_70 = arith.constant 0 : i32
    %dma_wait3A_71 = tpu.memref_slice %arg19[%dma_wait3A, %dma_wait3A_70] : memref<8192x128xf32, #tpu.memory_space<vmem_shared>> -> memref<8192x128xf32, #tpu.memory_space<vmem_shared>>
    tpu.wait_indirect_dma semaphore(%arg23 : memref<!tpu.dma_semaphore, #tpu.memory_space<semaphore_mem>>) src(%arg9 : memref<128x128xf32, #tpu.memory_space<vmem>>) dst(%dma_wait3A_71 : memref<8192x128xf32, #tpu.memory_space<vmem_shared>>)
    %dma_wait3A_72 = arith.constant 0 : i32
    %dma_wait3A_73 = arith.constant 0 : i32
    %dma_wait3A_74 = tpu.memref_slice %arg20[%dma_wait3A_72, %dma_wait3A_73] : memref<1024x128xf32, #tpu.memory_space<vmem_shared>> -> memref<1024x128xf32, #tpu.memory_space<vmem_shared>>
    tpu.wait_indirect_dma semaphore(%arg23 : memref<!tpu.dma_semaphore, #tpu.memory_space<semaphore_mem>>) src(%arg9 : memref<128x128xf32, #tpu.memory_space<vmem>>) dst(%dma_wait3A_74 : memref<1024x128xf32, #tpu.memory_space<vmem_shared>>)
    %dma_wait3A_75 = arith.constant 0 : i32
    %dma_wait3A_76 = arith.constant 0 : i32
    %dma_wait3A_77 = tpu.memref_slice %arg19[%dma_wait3A_75, %dma_wait3A_76] : memref<8192x128xf32, #tpu.memory_space<vmem_shared>> -> memref<8192x128xf32, #tpu.memory_space<vmem_shared>>
    tpu.wait_indirect_dma semaphore(%arg24 : memref<!tpu.dma_semaphore, #tpu.memory_space<semaphore_mem>>) src(%arg10 : memref<128x128xf32, #tpu.memory_space<vmem>>) dst(%dma_wait3A_77 : memref<8192x128xf32, #tpu.memory_space<vmem_shared>>)
    %dma_wait3A_78 = arith.constant 0 : i32
    %dma_wait3A_79 = arith.constant 0 : i32
    %dma_wait3A_80 = tpu.memref_slice %arg20[%dma_wait3A_78, %dma_wait3A_79] : memref<1024x128xf32, #tpu.memory_space<vmem_shared>> -> memref<1024x128xf32, #tpu.memory_space<vmem_shared>>
    tpu.wait_indirect_dma semaphore(%arg24 : memref<!tpu.dma_semaphore, #tpu.memory_space<semaphore_mem>>) src(%arg10 : memref<128x128xf32, #tpu.memory_space<vmem>>) dst(%dma_wait3A_80 : memref<1024x128xf32, #tpu.memory_space<vmem_shared>>)
    %eq3A = arith.constant 31 : i32
    %eq3A_81 = arith.cmpi eq, %add3A, %eq3A : i32
    %convert_element_type3A = arith.extui %eq3A_81 : i1 to i32
    %cond3A = arith.constant 0 : i32
    %cond3A_82 = arith.cmpi ne, %convert_element_type3A, %cond3A : i32
    scf.if %cond3A_82 {
      "tpu.region"() ({
        %run_scoped3A = tpu.sem_alloc : memref<!tpu.dma_semaphore, #tpu.memory_space<semaphore_mem>>
        %dma_start3A_107 = arith.constant 99968 : i32
        %dma_start3A_108 = arith.constant 0 : i32
        %dma_start3A_109 = tpu.memref_slice %arg2[%dma_start3A_107, %dma_start3A_108] : memref<100000x128xf32, #tpu.memory_space<hbm>> -> memref<32x128xf32, #tpu.memory_space<hbm>>
        %dma_start3A_110 = arith.constant 99968 : i32
        %dma_start3A_111 = arith.constant 0 : i32
        %dma_start3A_112 = tpu.memref_slice %arg2[%dma_start3A_110, %dma_start3A_111] : memref<100000x128xf32, #tpu.memory_space<hbm>> -> memref<32x128xf32, #tpu.memory_space<hbm>>
        tpu.enqueue_dma source(%dma_start3A_112 : memref<32x128xf32, #tpu.memory_space<hbm>>) target(%arg11 : memref<32x128xf32, #tpu.memory_space<vmem>>) target_semaphore(%run_scoped3A : memref<!tpu.dma_semaphore, #tpu.memory_space<semaphore_mem>>)
        %dma_wait3A_113 = arith.constant 99968 : i32
        %dma_wait3A_114 = arith.constant 0 : i32
        %dma_wait3A_115 = tpu.memref_slice %arg2[%dma_wait3A_113, %dma_wait3A_114] : memref<100000x128xf32, #tpu.memory_space<hbm>> -> memref<32x128xf32, #tpu.memory_space<hbm>>
        %dma_wait3A_116 = arith.constant 99968 : i32
        %dma_wait3A_117 = arith.constant 0 : i32
        %dma_wait3A_118 = tpu.memref_slice %arg2[%dma_wait3A_116, %dma_wait3A_117] : memref<100000x128xf32, #tpu.memory_space<hbm>> -> memref<32x128xf32, #tpu.memory_space<hbm>>
        tpu.wait_dma2 semaphore(%run_scoped3A : memref<!tpu.dma_semaphore, #tpu.memory_space<semaphore_mem>>) src(%dma_wait3A_118 : memref<32x128xf32, #tpu.memory_space<hbm>>) dst(%arg11 : memref<32x128xf32, #tpu.memory_space<vmem>>)
        tpu.yield
      }) : () -> ()
      "tpu.region"() ({
        %run_scoped3A = tpu.sem_alloc : memref<!tpu.dma_semaphore, #tpu.memory_space<semaphore_mem>>
        %dma_start3A_107 = arith.constant 99968 : i32
        %dma_start3A_108 = tpu.memref_slice %arg3[%dma_start3A_107] : memref<100000xi32, #tpu.memory_space<hbm>> -> memref<32xi32, #tpu.memory_space<hbm>>
        %dma_start3A_109 = arith.constant 99968 : i32
        %dma_start3A_110 = tpu.memref_slice %arg3[%dma_start3A_109] : memref<100000xi32, #tpu.memory_space<hbm>> -> memref<32xi32, #tpu.memory_space<hbm>>
        tpu.enqueue_dma source(%dma_start3A_110 : memref<32xi32, #tpu.memory_space<hbm>>) target(%arg16 : memref<32xi32, #tpu.memory_space<vmem>>) target_semaphore(%run_scoped3A : memref<!tpu.dma_semaphore, #tpu.memory_space<semaphore_mem>>)
        %dma_wait3A_111 = arith.constant 99968 : i32
        %dma_wait3A_112 = tpu.memref_slice %arg3[%dma_wait3A_111] : memref<100000xi32, #tpu.memory_space<hbm>> -> memref<32xi32, #tpu.memory_space<hbm>>
        %dma_wait3A_113 = arith.constant 99968 : i32
        %dma_wait3A_114 = tpu.memref_slice %arg3[%dma_wait3A_113] : memref<100000xi32, #tpu.memory_space<hbm>> -> memref<32xi32, #tpu.memory_space<hbm>>
        tpu.wait_dma2 semaphore(%run_scoped3A : memref<!tpu.dma_semaphore, #tpu.memory_space<semaphore_mem>>) src(%dma_wait3A_114 : memref<32xi32, #tpu.memory_space<hbm>>) dst(%arg16 : memref<32xi32, #tpu.memory_space<vmem>>)
        tpu.yield
      }) : () -> ()
      "tpu.region"() ({
        %run_scoped3A = tpu.sem_alloc : memref<!tpu.dma_semaphore, #tpu.memory_space<semaphore_mem>>
        %dma_start3A_107 = arith.constant 99968 : i32
        %dma_start3A_108 = tpu.memref_slice %arg4[%dma_start3A_107] : memref<100000xi32, #tpu.memory_space<hbm>> -> memref<32xi32, #tpu.memory_space<hbm>>
        %dma_start3A_109 = arith.constant 99968 : i32
        %dma_start3A_110 = tpu.memref_slice %arg4[%dma_start3A_109] : memref<100000xi32, #tpu.memory_space<hbm>> -> memref<32xi32, #tpu.memory_space<hbm>>
        tpu.enqueue_dma source(%dma_start3A_110 : memref<32xi32, #tpu.memory_space<hbm>>) target(%arg17 : memref<32xi32, #tpu.memory_space<vmem>>) target_semaphore(%run_scoped3A : memref<!tpu.dma_semaphore, #tpu.memory_space<semaphore_mem>>)
        %dma_wait3A_111 = arith.constant 99968 : i32
        %dma_wait3A_112 = tpu.memref_slice %arg4[%dma_wait3A_111] : memref<100000xi32, #tpu.memory_space<hbm>> -> memref<32xi32, #tpu.memory_space<hbm>>
        %dma_wait3A_113 = arith.constant 99968 : i32
        %dma_wait3A_114 = tpu.memref_slice %arg4[%dma_wait3A_113] : memref<100000xi32, #tpu.memory_space<hbm>> -> memref<32xi32, #tpu.memory_space<hbm>>
        tpu.wait_dma2 semaphore(%run_scoped3A : memref<!tpu.dma_semaphore, #tpu.memory_space<semaphore_mem>>) src(%dma_wait3A_114 : memref<32xi32, #tpu.memory_space<hbm>>) dst(%arg17 : memref<32xi32, #tpu.memory_space<vmem>>)
        tpu.yield
      }) : () -> ()
      "tpu.region"() ({
        %run_scoped3A = tpu.sem_alloc : memref<!tpu.dma_semaphore, #tpu.memory_space<semaphore_mem>>
        %dma_start3A_107 = arith.constant 0 : i32
        %dma_start3A_108 = arith.constant 0 : i32
        %dma_start3A_109 = tpu.memref_slice %arg19[%dma_start3A_107, %dma_start3A_108] : memref<8192x128xf32, #tpu.memory_space<vmem_shared>> -> memref<8192x128xf32, #tpu.memory_space<vmem_shared>>
        tpu.enqueue_indirect_dma source(%arg11 : memref<32x128xf32, #tpu.memory_space<vmem>>) target(%dma_start3A_109 : memref<8192x128xf32, #tpu.memory_space<vmem_shared>>) offsets(%arg16 : memref<32xi32, #tpu.memory_space<vmem>>) semaphore(%run_scoped3A : memref<!tpu.dma_semaphore, #tpu.memory_space<semaphore_mem>>) {add = true}
        %dma_wait3A_110 = arith.constant 0 : i32
        %dma_wait3A_111 = arith.constant 0 : i32
        %dma_wait3A_112 = tpu.memref_slice %arg19[%dma_wait3A_110, %dma_wait3A_111] : memref<8192x128xf32, #tpu.memory_space<vmem_shared>> -> memref<8192x128xf32, #tpu.memory_space<vmem_shared>>
        tpu.wait_indirect_dma semaphore(%run_scoped3A : memref<!tpu.dma_semaphore, #tpu.memory_space<semaphore_mem>>) src(%arg11 : memref<32x128xf32, #tpu.memory_space<vmem>>) dst(%dma_wait3A_112 : memref<8192x128xf32, #tpu.memory_space<vmem_shared>>)
        tpu.yield
      }) : () -> ()
      "tpu.region"() ({
        %run_scoped3A = tpu.sem_alloc : memref<!tpu.dma_semaphore, #tpu.memory_space<semaphore_mem>>
        %dma_start3A_107 = arith.constant 0 : i32
        %dma_start3A_108 = arith.constant 0 : i32
        %dma_start3A_109 = tpu.memref_slice %arg20[%dma_start3A_107, %dma_start3A_108] : memref<1024x128xf32, #tpu.memory_space<vmem_shared>> -> memref<1024x128xf32, #tpu.memory_space<vmem_shared>>
        tpu.enqueue_indirect_dma source(%arg11 : memref<32x128xf32, #tpu.memory_space<vmem>>) target(%dma_start3A_109 : memref<1024x128xf32, #tpu.memory_space<vmem_shared>>) offsets(%arg17 : memref<32xi32, #tpu.memory_space<vmem>>) semaphore(%run_scoped3A : memref<!tpu.dma_semaphore, #tpu.memory_space<semaphore_mem>>) {add = true}
        %dma_wait3A_110 = arith.constant 0 : i32
        %dma_wait3A_111 = arith.constant 0 : i32
        %dma_wait3A_112 = tpu.memref_slice %arg20[%dma_wait3A_110, %dma_wait3A_111] : memref<1024x128xf32, #tpu.memory_space<vmem_shared>> -> memref<1024x128xf32, #tpu.memory_space<vmem_shared>>
        tpu.wait_indirect_dma semaphore(%run_scoped3A : memref<!tpu.dma_semaphore, #tpu.memory_space<semaphore_mem>>) src(%arg11 : memref<32x128xf32, #tpu.memory_space<vmem>>) dst(%dma_wait3A_112 : memref<1024x128xf32, #tpu.memory_space<vmem_shared>>)
        tpu.yield
      }) : () -> ()
      %get3A = arith.constant 0 : index
      %get3A_94 = tpu.vector_load %arg16[%get3A] {strides = array<i32>} : memref<32xi32, #tpu.memory_space<vmem>>, vector<16xi32>,
      tpu.vector_store_idx %arg18[%get3A_94], %broadcast_in_dim3A_48 {add = true} : memref<9216xf32, #tpu.memory_space<vmem>>[vector<16xi32>], vector<16xf32>,
      %get3A_95 = arith.constant 0 : index
      %get3A_96 = tpu.vector_load %arg17[%get3A_95] {strides = array<i32>} : memref<32xi32, #tpu.memory_space<vmem>>, vector<16xi32>,
      %add3A_97 = arith.constant 8192 : i32
      %add3A_98 = vector.broadcast %add3A_97 : i32 to vector<16xi32>
      %add3A_99 = arith.addi %get3A_96, %add3A_98 : vector<16xi32>
      tpu.vector_store_idx %arg18[%add3A_99], %broadcast_in_dim3A_48 {add = true} : memref<9216xf32, #tpu.memory_space<vmem>>[vector<16xi32>], vector<16xf32>,
      %get3A_100 = arith.constant 16 : index
      %get3A_101 = tpu.vector_load %arg16[%get3A_100] {strides = array<i32>} : memref<32xi32, #tpu.memory_space<vmem>>, vector<16xi32>,
      tpu.vector_store_idx %arg18[%get3A_101], %broadcast_in_dim3A_48 {add = true} : memref<9216xf32, #tpu.memory_space<vmem>>[vector<16xi32>], vector<16xf32>,
      %get3A_102 = arith.constant 16 : index
      %get3A_103 = tpu.vector_load %arg17[%get3A_102] {strides = array<i32>} : memref<32xi32, #tpu.memory_space<vmem>>, vector<16xi32>,
      %add3A_104 = arith.constant 8192 : i32
      %add3A_105 = vector.broadcast %add3A_104 : i32 to vector<16xi32>
      %add3A_106 = arith.addi %get3A_103, %add3A_105 : vector<16xi32>
      tpu.vector_store_idx %arg18[%add3A_106], %broadcast_in_dim3A_48 {add = true} : memref<9216xf32, #tpu.memory_space<vmem>>[vector<16xi32>], vector<16xf32>,
    } else {
    }
    %barrier3A_83 = arith.constant 0 : index
    tpu.barrier barrier_id(%barrier3A_83)
    %mul3A_84 = arith.constant 512 : i32
    %mul3A_85 = arith.muli %arg1, %mul3A_84 : i32
    %mul3A_86 = arith.constant 512 : i32
    %mul3A_87 = arith.muli %arg1, %mul3A_86 : i32
    "tpu.region"() ({
      %run_scoped3A = tpu.sem_alloc : memref<!tpu.dma_semaphore, #tpu.memory_space<semaphore_mem>>
      %dma_start3A_94 = arith.constant 0 : i32
      %dma_start3A_95 = tpu.memref_slice %arg7[%arg0, %mul3A_87, %dma_start3A_94] : memref<2x9216x128xf32, #tpu.memory_space<hbm>> -> memref<1x512x128xf32, #tpu.memory_space<hbm>>
      %dma_start3A_96 = tpu.memref_squeeze %dma_start3A_95 : memref<1x512x128xf32, #tpu.memory_space<hbm>> -> memref<512x128xf32, #tpu.memory_space<hbm>>
      %dma_start3A_97 = arith.constant 0 : i32
      %dma_start3A_98 = tpu.memref_slice %arg19[%mul3A_85, %dma_start3A_97] : memref<8192x128xf32, #tpu.memory_space<vmem_shared>> -> memref<512x128xf32, #tpu.memory_space<vmem_shared>>
      tpu.enqueue_dma source(%dma_start3A_98 : memref<512x128xf32, #tpu.memory_space<vmem_shared>>) target(%dma_start3A_96 : memref<512x128xf32, #tpu.memory_space<hbm>>) target_semaphore(%run_scoped3A : memref<!tpu.dma_semaphore, #tpu.memory_space<semaphore_mem>>)
      %dma_wait3A_99 = arith.constant 0 : i32
      %dma_wait3A_100 = tpu.memref_slice %arg7[%arg0, %mul3A_87, %dma_wait3A_99] : memref<2x9216x128xf32, #tpu.memory_space<hbm>> -> memref<1x512x128xf32, #tpu.memory_space<hbm>>
      %dma_wait3A_101 = tpu.memref_squeeze %dma_wait3A_100 : memref<1x512x128xf32, #tpu.memory_space<hbm>> -> memref<512x128xf32, #tpu.memory_space<hbm>>
      %dma_wait3A_102 = arith.constant 0 : i32
      %dma_wait3A_103 = tpu.memref_slice %arg19[%mul3A_85, %dma_wait3A_102] : memref<8192x128xf32, #tpu.memory_space<vmem_shared>> -> memref<512x128xf32, #tpu.memory_space<vmem_shared>>
      tpu.wait_dma2 semaphore(%run_scoped3A : memref<!tpu.dma_semaphore, #tpu.memory_space<semaphore_mem>>) src(%dma_wait3A_103 : memref<512x128xf32, #tpu.memory_space<vmem_shared>>) dst(%dma_wait3A_101 : memref<512x128xf32, #tpu.memory_space<hbm>>)
      tpu.yield
    }) : () -> ()
    %mul3A_88 = arith.constant 64 : i32
    %mul3A_89 = arith.muli %arg1, %mul3A_88 : i32
    %mul3A_90 = arith.constant 64 : i32
    %mul3A_91 = arith.muli %arg1, %mul3A_90 : i32
    %add3A_92 = arith.constant 8192 : i32
    %add3A_93 = arith.addi %add3A_92, %mul3A_91 : i32
    "tpu.region"() ({
      %run_scoped3A = tpu.sem_alloc : memref<!tpu.dma_semaphore, #tpu.memory_space<semaphore_mem>>
      %dma_start3A_94 = arith.constant 0 : i32
      %dma_start3A_95 = tpu.memref_slice %arg7[%arg0, %add3A_93, %dma_start3A_94] : memref<2x9216x128xf32, #tpu.memory_space<hbm>> -> memref<1x64x128xf32, #tpu.memory_space<hbm>>
      %dma_start3A_96 = tpu.memref_squeeze %dma_start3A_95 : memref<1x64x128xf32, #tpu.memory_space<hbm>> -> memref<64x128xf32, #tpu.memory_space<hbm>>
      %dma_start3A_97 = arith.constant 0 : i32
      %dma_start3A_98 = tpu.memref_slice %arg20[%mul3A_89, %dma_start3A_97] : memref<1024x128xf32, #tpu.memory_space<vmem_shared>> -> memref<64x128xf32, #tpu.memory_space<vmem_shared>>
      tpu.enqueue_dma source(%dma_start3A_98 : memref<64x128xf32, #tpu.memory_space<vmem_shared>>) target(%dma_start3A_96 : memref<64x128xf32, #tpu.memory_space<hbm>>) target_semaphore(%run_scoped3A : memref<!tpu.dma_semaphore, #tpu.memory_space<semaphore_mem>>)
      %dma_wait3A_99 = arith.constant 0 : i32
      %dma_wait3A_100 = tpu.memref_slice %arg7[%arg0, %add3A_93, %dma_wait3A_99] : memref<2x9216x128xf32, #tpu.memory_space<hbm>> -> memref<1x64x128xf32, #tpu.memory_space<hbm>>
      %dma_wait3A_101 = tpu.memref_squeeze %dma_wait3A_100 : memref<1x64x128xf32, #tpu.memory_space<hbm>> -> memref<64x128xf32, #tpu.memory_space<hbm>>
      %dma_wait3A_102 = arith.constant 0 : i32
      %dma_wait3A_103 = tpu.memref_slice %arg20[%mul3A_89, %dma_wait3A_102] : memref<1024x128xf32, #tpu.memory_space<vmem_shared>> -> memref<64x128xf32, #tpu.memory_space<vmem_shared>>
      tpu.wait_dma2 semaphore(%run_scoped3A : memref<!tpu.dma_semaphore, #tpu.memory_space<semaphore_mem>>) src(%dma_wait3A_103 : memref<64x128xf32, #tpu.memory_space<vmem_shared>>) dst(%dma_wait3A_101 : memref<64x128xf32, #tpu.memory_space<hbm>>)
      tpu.yield
    }) : () -> ()
    "tpu.region"() ({
      %run_scoped3A = tpu.sem_alloc : memref<!tpu.dma_semaphore, #tpu.memory_space<semaphore_mem>>
      %dma_start3A_94 = arith.constant 0 : i32
      %dma_start3A_95 = tpu.memref_slice %arg8[%add3A, %dma_start3A_94] : memref<32x9216xf32, #tpu.memory_space<hbm>> -> memref<1x9216xf32, #tpu.memory_space<hbm>>
      %dma_start3A_96 = tpu.memref_squeeze %dma_start3A_95 : memref<1x9216xf32, #tpu.memory_space<hbm>> -> memref<9216xf32, #tpu.memory_space<hbm>>
      %dma_start3A_97 = arith.constant 0 : i32
      %dma_start3A_98 = tpu.memref_slice %arg8[%add3A, %dma_start3A_97] : memref<32x9216xf32, #tpu.memory_space<hbm>> -> memref<1x9216xf32, #tpu.memory_space<hbm>>
      %dma_start3A_99 = tpu.memref_squeeze %dma_start3A_98 : memref<1x9216xf32, #tpu.memory_space<hbm>> -> memref<9216xf32, #tpu.memory_space<hbm>>
      tpu.enqueue_dma source(%arg18 : memref<9216xf32, #tpu.memory_space<vmem>>) target(%dma_start3A_99 : memref<9216xf32, #tpu.memory_space<hbm>>) target_semaphore(%run_scoped3A : memref<!tpu.dma_semaphore, #tpu.memory_space<semaphore_mem>>)
      %dma_wait3A_100 = arith.constant 0 : i32
      %dma_wait3A_101 = tpu.memref_slice %arg8[%add3A, %dma_wait3A_100] : memref<32x9216xf32, #tpu.memory_space<hbm>> -> memref<1x9216xf32, #tpu.memory_space<hbm>>
      %dma_wait3A_102 = tpu.memref_squeeze %dma_wait3A_101 : memref<1x9216xf32, #tpu.memory_space<hbm>> -> memref<9216xf32, #tpu.memory_space<hbm>>
      %dma_wait3A_103 = arith.constant 0 : i32
      %dma_wait3A_104 = tpu.memref_slice %arg8[%add3A, %dma_wait3A_103] : memref<32x9216xf32, #tpu.memory_space<hbm>> -> memref<1x9216xf32, #tpu.memory_space<hbm>>
      %dma_wait3A_105 = tpu.memref_squeeze %dma_wait3A_104 : memref<1x9216xf32, #tpu.memory_space<hbm>> -> memref<9216xf32, #tpu.memory_space<hbm>>
      tpu.wait_dma2 semaphore(%run_scoped3A : memref<!tpu.dma_semaphore, #tpu.memory_space<semaphore_mem>>) src(%arg18 : memref<9216xf32, #tpu.memory_space<vmem>>) dst(%dma_wait3A_105 : memref<9216xf32, #tpu.memory_space<hbm>>)
      tpu.yield
    }) : () -> ()
    return
  }
}

module attributes {stable_mosaic.version = 14 : i64} {
  func.func @body(%arg0: i32, %arg1: memref<2x4608x128xf32, #tpu.memory_space<vmem>>, %arg2: memref<32x4608xf32, #tpu.memory_space<vmem>>, %arg3: memref<128x256xf32, #tpu.memory_space<vmem>>, %arg4: memref<256xf32, #tpu.memory_space<vmem>>, %arg5: memref<256x256xf32, #tpu.memory_space<vmem>>, %arg6: memref<256xf32, #tpu.memory_space<vmem>>, %arg7: memref<256x128xf32, #tpu.memory_space<vmem>>, %arg8: memref<128xf32, #tpu.memory_space<vmem>>, %arg9: memref<4608x128xf32, #tpu.memory_space<vmem>>, %arg10: memref<4608x128xf32, #tpu.memory_space<vmem>>) attributes {dimension_semantics = [#tpu.dimension_semantics<arbitrary>], iteration_bounds = array<i64: 2>, scalar_prefetch = 0 : i64, scratch_operands = 0 : i64, tpu.core_type = #tpu.core_type<tc>, window_params = [{transform_indices = @transform_0, window_bounds = array<i64: 2, 4608, 128>}, {transform_indices = @transform_1, window_bounds = array<i64: 32, 4608>}, {pipeline_mode = #tpu.pipeline_mode<synchronous>, transform_indices = @transform_2, window_bounds = array<i64: 128, 256>}, {pipeline_mode = #tpu.pipeline_mode<synchronous>, transform_indices = @transform_3, window_bounds = array<i64: 256>}, {pipeline_mode = #tpu.pipeline_mode<synchronous>, transform_indices = @transform_4, window_bounds = array<i64: 256, 256>}, {pipeline_mode = #tpu.pipeline_mode<synchronous>, transform_indices = @transform_5, window_bounds = array<i64: 256>}, {pipeline_mode = #tpu.pipeline_mode<synchronous>, transform_indices = @transform_6, window_bounds = array<i64: 256, 128>}, {pipeline_mode = #tpu.pipeline_mode<synchronous>, transform_indices = @transform_7, window_bounds = array<i64: 128>}, {transform_indices = @transform_8, window_bounds = array<i64: 4608, 128>}, {transform_indices = @transform_9, window_bounds = array<i64: 4608, 128>}]} {
    %get3A = arith.constant 0 : index
    %get3A_0 = arith.constant 0 : index
    %get3A_1 = arith.constant 0 : index
    %get3A_2 = vector.load %arg1[%get3A, %get3A_0, %get3A_1] : memref<2x4608x128xf32, #tpu.memory_space<vmem>>, vector<1x4608x128xf32>
    %get3A_3 = vector.shape_cast %get3A_2 : vector<1x4608x128xf32> to vector<4608x128xf32>
    %get3A_4 = arith.constant 1 : index
    %get3A_5 = arith.constant 0 : index
    %get3A_6 = arith.constant 0 : index
    %get3A_7 = vector.load %arg1[%get3A_4, %get3A_5, %get3A_6] : memref<2x4608x128xf32, #tpu.memory_space<vmem>>, vector<1x4608x128xf32>
    %get3A_8 = vector.shape_cast %get3A_7 : vector<1x4608x128xf32> to vector<4608x128xf32>
    %add3A = arith.addf %get3A_3, %get3A_8 : vector<4608x128xf32>
    %get3A_9 = arith.constant 0 : index
    %get3A_10 = arith.constant 0 : index
    %get3A_11 = vector.load %arg2[%get3A_9, %get3A_10] : memref<32x4608xf32, #tpu.memory_space<vmem>>, vector<32x4608xf32>
    %reduce_sum3A = arith.constant dense<0.000000e+00> : vector<4608xf32>
    %reduce_sum3A_12 = vector.multi_reduction <add>, %get3A_11, %reduce_sum3A [0] : vector<32x4608xf32> to vector<4608xf32>
    %max3A = arith.constant 1.000000e+00 : f32
    %max3A_13 = vector.broadcast %max3A : f32 to vector<4608xf32>
    %max3A_14 = arith.maximumf %reduce_sum3A_12, %max3A_13 : vector<4608xf32>
    %broadcast_in_dim3A = vector.shape_cast %max3A_14 : vector<4608xf32> to vector<4608x1xf32>
    %div3A = vector.broadcast %broadcast_in_dim3A : vector<4608x1xf32> to vector<4608x128xf32>
    %div3A_15 = arith.divf %add3A, %div3A : vector<4608x128xf32>
    %swap3A = arith.constant 0 : index
    %swap3A_16 = arith.constant 0 : index
    %swap3A_17 = vector.load %arg9[%swap3A, %swap3A_16] : memref<4608x128xf32, #tpu.memory_space<vmem>>, vector<4608x128xf32>
    tpu.vector_store %arg9[%swap3A, %swap3A_16], %div3A_15 {strides = array<i32>} : memref<4608x128xf32, #tpu.memory_space<vmem>>, vector<4608x128xf32>,
    %get3A_18 = arith.constant 0 : index
    %get3A_19 = arith.constant 0 : index
    %get3A_20 = vector.load %arg3[%get3A_18, %get3A_19] : memref<128x256xf32, #tpu.memory_space<vmem>>, vector<128x256xf32>
    %dot_general3A = arith.constant dense<0.000000e+00> : vector<4608x256xf32>
    %dot_general3A_21 = tpu.matmul %div3A_15, %get3A_20, %dot_general3A {dimension_numbers = #tpu.dot_dimension_numbers<[1], [0], [0], [1], [0, 0, 1, 1], [], []>, transpose_lhs_hint = false} : vector<4608x128xf32>, vector<128x256xf32>, vector<4608x256xf32> -> vector<4608x256xf32>
    %get3A_22 = arith.constant 0 : index
    %get3A_23 = vector.load %arg4[%get3A_22] : memref<256xf32, #tpu.memory_space<vmem>>, vector<256xf32>
    %broadcast_in_dim3A_24 = vector.shape_cast %get3A_23 : vector<256xf32> to vector<1x256xf32>
    %add3A_25 = vector.broadcast %broadcast_in_dim3A_24 : vector<1x256xf32> to vector<4608x256xf32>
    %add3A_26 = arith.addf %dot_general3A_21, %add3A_25 : vector<4608x256xf32>
    %get3A_27 = arith.constant 0 : index
    %get3A_28 = arith.constant 0 : index
    %get3A_29 = vector.load %arg5[%get3A_27, %get3A_28] : memref<256x256xf32, #tpu.memory_space<vmem>>, vector<256x256xf32>
    %dot_general3A_30 = arith.constant dense<0.000000e+00> : vector<4608x256xf32>
    %dot_general3A_31 = tpu.matmul %add3A_26, %get3A_29, %dot_general3A_30 {dimension_numbers = #tpu.dot_dimension_numbers<[1], [0], [0], [1], [0, 0, 1, 1], [], []>, transpose_lhs_hint = false} : vector<4608x256xf32>, vector<256x256xf32>, vector<4608x256xf32> -> vector<4608x256xf32>
    %get3A_32 = arith.constant 0 : index
    %get3A_33 = vector.load %arg6[%get3A_32] : memref<256xf32, #tpu.memory_space<vmem>>, vector<256xf32>
    %broadcast_in_dim3A_34 = vector.shape_cast %get3A_33 : vector<256xf32> to vector<1x256xf32>
    %add3A_35 = vector.broadcast %broadcast_in_dim3A_34 : vector<1x256xf32> to vector<4608x256xf32>
    %add3A_36 = arith.addf %dot_general3A_31, %add3A_35 : vector<4608x256xf32>
    %max3A_37 = arith.constant 0.000000e+00 : f32
    %max3A_38 = vector.broadcast %max3A_37 : f32 to vector<4608x256xf32>
    %max3A_39 = arith.maximumf %add3A_36, %max3A_38 : vector<4608x256xf32>
    %get3A_40 = arith.constant 0 : index
    %get3A_41 = arith.constant 0 : index
    %get3A_42 = vector.load %arg7[%get3A_40, %get3A_41] : memref<256x128xf32, #tpu.memory_space<vmem>>, vector<256x128xf32>
    %dot_general3A_43 = arith.constant dense<0.000000e+00> : vector<4608x128xf32>
    %dot_general3A_44 = tpu.matmul %max3A_39, %get3A_42, %dot_general3A_43 {dimension_numbers = #tpu.dot_dimension_numbers<[1], [0], [0], [1], [0, 0, 1, 1], [], []>, transpose_lhs_hint = false} : vector<4608x256xf32>, vector<256x128xf32>, vector<4608x128xf32> -> vector<4608x128xf32>
    %get3A_45 = arith.constant 0 : index
    %get3A_46 = vector.load %arg8[%get3A_45] : memref<128xf32, #tpu.memory_space<vmem>>, vector<128xf32>
    %broadcast_in_dim3A_47 = vector.shape_cast %get3A_46 : vector<128xf32> to vector<1x128xf32>
    %add3A_48 = vector.broadcast %broadcast_in_dim3A_47 : vector<1x128xf32> to vector<4608x128xf32>
    %add3A_49 = arith.addf %dot_general3A_44, %add3A_48 : vector<4608x128xf32>
    %swap3A_50 = arith.constant 0 : index
    %swap3A_51 = arith.constant 0 : index
    %swap3A_52 = vector.load %arg10[%swap3A_50, %swap3A_51] : memref<4608x128xf32, #tpu.memory_space<vmem>>, vector<4608x128xf32>
    tpu.vector_store %arg10[%swap3A_50, %swap3A_51], %add3A_49 {strides = array<i32>} : memref<4608x128xf32, #tpu.memory_space<vmem>>, vector<4608x128xf32>,
    return
  }
  func.func @transform_0(%arg0: i32) -> (i32, i32, i32) {
    %c0_i32 = arith.constant 0 : i32
    %c0_i32_0 = arith.constant 0 : i32
    %c0_i32_1 = arith.constant 0 : i32
    return %c0_i32, %arg0, %c0_i32_0 : i32, i32, i32
  }
  func.func @transform_1(%arg0: i32) -> (i32, i32) {
    %c0_i32 = arith.constant 0 : i32
    %c0_i32_0 = arith.constant 0 : i32
    return %c0_i32, %arg0 : i32, i32
  }
  func.func @transform_2(%arg0: i32) -> (i32, i32) {
    %c0_i32 = arith.constant 0 : i32
    %c0_i32_0 = arith.constant 0 : i32
    %c0_i32_1 = arith.constant 0 : i32
    return %c0_i32, %c0_i32_0 : i32, i32
  }
  func.func @transform_3(%arg0: i32) -> i32 {
    %c0_i32 = arith.constant 0 : i32
    %c0_i32_0 = arith.constant 0 : i32
    return %c0_i32 : i32
  }
  func.func @transform_4(%arg0: i32) -> (i32, i32) {
    %c0_i32 = arith.constant 0 : i32
    %c0_i32_0 = arith.constant 0 : i32
    %c0_i32_1 = arith.constant 0 : i32
    return %c0_i32, %c0_i32_0 : i32, i32
  }
  func.func @transform_5(%arg0: i32) -> i32 {
    %c0_i32 = arith.constant 0 : i32
    %c0_i32_0 = arith.constant 0 : i32
    return %c0_i32 : i32
  }
  func.func @transform_6(%arg0: i32) -> (i32, i32) {
    %c0_i32 = arith.constant 0 : i32
    %c0_i32_0 = arith.constant 0 : i32
    %c0_i32_1 = arith.constant 0 : i32
    return %c0_i32, %c0_i32_0 : i32, i32
  }
  func.func @transform_7(%arg0: i32) -> i32 {
    %c0_i32 = arith.constant 0 : i32
    %c0_i32_0 = arith.constant 0 : i32
    return %c0_i32 : i32
  }
  func.func @transform_8(%arg0: i32) -> (i32, i32) {
    %c0_i32 = arith.constant 0 : i32
    %c0_i32_0 = arith.constant 0 : i32
    return %arg0, %c0_i32 : i32, i32
  }
  func.func @transform_9(%arg0: i32) -> (i32, i32) {
    %c0_i32 = arith.constant 0 : i32
    %c0_i32_0 = arith.constant 0 : i32
    return %arg0, %c0_i32 : i32, i32
  }
}

</mosaic_0001>

<sc_bundles>
// kernel: kernel.4.cloned.1.call-start
scs
__scs_entry_jumppad:
0x0: {  	(pc) =	sbr.rel $0x88, $3  }
0x1: {  	(tag) =	ssettag $0x0;
	lr =	simm.s32 $0x1  }
0x2: {  	[smem:$0x3F98] =	sst lr;
	_ =	strace $0xD0000000  }
0x3: {  	_ = 	snop  }
0x4: {  	_ = 	snop  }
0x5: {  	_ = 	snop  }
0x6: {  	_ = 	snop  }
0x7: {  	_ = 	snop  }
__scs_overlays_trampoline_lowered:
0x8: {  	[smem:$0x3FA7] =	sst s0  }
0x9: {  	[smem:$0x3FA8] =	sst s1  }
0xa: {  	[smem:$0x3FA9] =	sst s2  }
0xb: {  	[smem:$0x3FAA] =	sst s3  }
0xc: {  	[smem:$0x3FAB] =	sst s4  }
0xd: {  	[smem:$0x3FAC] =	sst s5  }
0xe: {  	[smem:$0x3FAD] =	sst s6  }
0xf: {  	[smem:$0x3FAE] =	sst s7  }
0x10: {  	[smem:$0x3FAF] =	sst s8  }
0x11: {  	[smem:$0x3FB0] =	sst s9;
	s0 =	simm.s32 @!p0 $0x0  }
0x12: {  	s1 =	sld [smem:$0x3F96];
	s0 =	simm.s32 @p0 $0x1  }
0x13: {  	[smem:$0x3FB1] =	sst s0;
	s0 =	simm.s32 @!p1 $0x0  }
0x14: {  	s2 =	sld [smem:$0x3F95];
	s0 =	simm.s32 @p1 $0x1  }
0x15: {  	[smem:$0x3FB2] =	sst s0;
	s0 =	simm.s32 @!p2 $0x0  }
0x16: {  	s3 =	sld [smem:$0x3FDB];
	s0 =	simm.s32 @p2 $0x1  }
0x17: {  	s4 =	simm.s32 $0x1BF5;
	[smem:$0x3FB4] =	sst s0  }
0x18: {  	s0 =	sld [smem:$0x3F97];
	_ =	swait.ge [sflag:s4], $0x0  }
0x19: {  	s7 =	sld [smem:$0x3F98]  }
0x1a: {  	s8 =	sadd.s32 $0xFFFFE003, lr  }
0x1b: {  	s9 =	sadd.s32 $0xFFFFFEF7, lr;
	s5 =	simm.s32 $0xFFFFFFFF;
	p2 =	slt.u32 s8, $0xFFFFF086  }
0x1c: {  	p1 =	slt.u32 s9, $0xF7A;
	s5 =	simm.s32 @!p2 $0x0  }
0x1d: {  	s5 =	simm.s32 @p1 $0x1;
	p0 =	seq.s32 s7, s2  }
0x1e: {  	s7 =	smul.u32 @!p0 $0xF7A, s2;
	p2 =	seq.s32 @!p0 s5, $0x0  }
0x1f: {  	s9 =	smul.u32 $0xF7A, s1;
	s8 =	simm.s32 @!p0 $0x1BF5;
	p2 =	por !p2, p0  }
0x20: {  	[sflag:s8] =	ssyncset.s32 @!p0 $0xFFFFF086;
	s6 =	sadd.s32 @!p0 s3, s7;
	s7 =	simm.s32 @!p0 $0x108  }
0x21: {  	s3 =	sadd.s32 s3, s9;
	s6 =	sadd.s32 @!p0 $0x88, s6;
	s7 =	simm.s32 @p2 $0x1082  }
0x22: {  	[simem:s7], [sflag:s8] =	dma.local @!p0 [hbm:s6], $0xF7A  }
0x23: {  	s9 =	sor.u32 $0xD0000000, s2;
	s6 =	simm.s32 $0x108;
	_ =	swait.ge @!p0 [sflag:s8], $0x0  }
0x24: {  	s3 =	sadd.s32 $0x88, s3;
	s6 =	simm.s32 @!p1 $0x1082;
	[sflag:s4] =	ssyncset.s32 $0xFFFFF086  }
0x25: {  	[simem:s6], [sflag:s4] =	dma.local [hbm:s3], $0xF7A  }
0x26: {  	[smem:$0x3F98] =	sst s1;
	(tag) =	ssettag s2;
	_ =	strace s9  }
0x27: {  	s1 =	sld [smem:$0x3FA8]  }
0x28: {  	s2 =	sld [smem:$0x3FA9]  }
0x29: {  	s4 =	sld [smem:$0x3FAB]  }
0x2a: {  	p0 =	seq.s32 s5, $0x0;
	s5 =	sld [smem:$0x3FAC]  }
0x2b: {  	s6 =	sld [smem:$0x3FAD]  }
0x2c: {  	s7 =	sld [smem:$0x3FAE]  }
0x2d: {  	s3 =	simm.s32 $0x108;
	s8 =	sld [smem:$0x3FAF]  }
0x2e: {  	s3 =	simm.s32 @!p0 $0x1082;
	s9 =	sld [smem:$0x3FB0]  }
0x2f: {  	lr =	sadd.s32 s0, s3;
	s0 =	sld [smem:$0x3FA7]  }
0x30: {  	s3 =	sld [smem:$0x3FAA]  }
0x31: {  	[smem:$0x3FB3] =	sst s10  }
0x32: {  	s10 =	sld [smem:$0x3FB1];
	_ =	sdelay $0x3  }
0x33: {  	p0 =	seq.s32 s10, $0x1;
	s10 =	sld [smem:$0x3FB3];
	_ =	sdelay $0x3  }
0x34: {  	[smem:$0x3FB3] =	sst s10  }
0x35: {  	s10 =	sld [smem:$0x3FB2];
	_ =	sdelay $0x3  }
0x36: {  	p1 =	seq.s32 s10, $0x1;
	s10 =	sld [smem:$0x3FB3];
	_ =	sdelay $0x3  }
0x37: {  	[smem:$0x3FB3] =	sst s10  }
0x38: {  	s10 =	sld [smem:$0x3FB4]  }
0x39: {  	_ = 	snop;
	(pc) =	sbr.ind lr, $3  }
0x3a: {  	_ = 	snop  }
0x3b: {  	_ = 	snop  }
0x3c: {  	p2 =	seq.s32 s10, $0x1;
	s10 =	sld [smem:$0x3FB3]  }
0x3d: {  	_ =	shalt  }
0x3e: {  	_ =	shalt  }
0x3f: {  	_ =	shalt  }
0x40: {  	_ =	shalt  }
0x41: {  	_ =	shalt  }
0x42: {  	_ =	shalt  }
0x43: {  	_ =	shalt  }
0x44: {  	_ =	shalt  }
0x45: {  	_ =	shalt  }
0x46: {  	_ =	shalt  }
0x47: {  	_ =	shalt  }
0x48: {  	_ =	shalt  }
0x49: {  	_ =	shalt  }
0x4a: {  	_ =	shalt  }
0x4b: {  	_ =	shalt  }
0x4c: {  	_ =	shalt  }
0x4d: {  	_ =	shalt  }
0x4e: {  	_ =	shalt  }
0x4f: {  	_ =	shalt  }
0x50: {  	_ =	shalt  }
0x51: {  	_ =	shalt  }
0x52: {  	_ =	shalt  }
0x53: {  	_ =	shalt  }
0x54: {  	_ =	shalt  }
0x55: {  	_ =	shalt  }
0x56: {  	_ =	shalt  }
0x57: {  	_ =	shalt  }
0x58: {  	_ =	shalt  }
0x59: {  	_ =	shalt  }
0x5a: {  	_ =	shalt  }
0x5b: {  	_ =	shalt  }
0x5c: {  	_ =	shalt  }
0x5d: {  	_ =	shalt  }
0x5e: {  	_ =	shalt  }
0x5f: {  	_ =	shalt  }
0x60: {  	_ =	shalt  }
0x61: {  	_ =	shalt  }
0x62: {  	_ =	shalt  }
0x63: {  	_ =	shalt  }
0x64: {  	_ =	shalt  }
0x65: {  	_ =	shalt  }
0x66: {  	_ =	shalt  }
0x67: {  	_ =	shalt  }
0x68: {  	_ =	shalt  }
0x69: {  	_ =	shalt  }
0x6a: {  	_ =	shalt  }
0x6b: {  	_ =	shalt  }
0x6c: {  	_ =	shalt  }
0x6d: {  	_ =	shalt  }
0x6e: {  	_ =	shalt  }
0x6f: {  	_ =	shalt  }
0x70: {  	_ =	shalt  }
0x71: {  	_ =	shalt  }
0x72: {  	_ =	shalt  }
0x73: {  	_ =	shalt  }
0x74: {  	_ =	shalt  }
0x75: {  	_ =	shalt  }
0x76: {  	_ =	shalt  }
0x77: {  	_ =	shalt  }
0x78: {  	_ =	shalt  }
0x79: {  	_ =	shalt  }
0x7a: {  	_ =	shalt  }
0x7b: {  	_ =	shalt  }
0x7c: {  	_ =	shalt  }
0x7d: {  	_ =	shalt  }
0x7e: {  	_ =	shalt  }
0x7f: {  	_ =	shalt  }
0x80: {  	_ =	shalt  }
0x81: {  	_ =	shalt  }
0x82: {  	_ =	shalt  }
0x83: {  	_ =	shalt  }
0x84: {  	_ =	shalt  }
0x85: {  	_ =	shalt  }
0x86: {  	_ =	shalt  }
0x87: {  	_ =	shalt  }
.Lfunc_end0:
.L_simem_size_0:
called_computation_lowered:
.L_overlay_start_0:
0x88: {  	s2 =	sld [smem:$0x3FD9]  }
0x89: {  	s3 =	sld [smem:$0x3FFE];
	_ =	sdelay $0x1  }
0x8a: {  	s1 =	srdreg.scid  }
0x8b: {  	s0 =	sand.u32 $0x1, s1  }
0x8c: {  	s14 =	sshll.u32 s0, $0xA;
	s2 =	sadd.s32 s3, s2  }
0x8d: {  	s2 =	sadd.s32 s2, s14  }
0x8e: {  	[smem:$0x3FBF] =	sst s2  }
0x8f: {  	_ = 	snop  }
0x90: {  	s2 =	sld [smem:$0x3FD0]  }
0x91: {  	s15 =	sld [smem:$0x3FC9]  }
0x92: {  	s4 =	sld [smem:$0x3FC8]  }
0x93: {  	s6 =	simm.s32 $0xA;
	s7 =	simm.s32 $0x10;
	s5 =	sld [smem:$0x3FC7]  }
0x94: {  	[smem:s7], [sflag:s6] =	dma.local [hbm:s2], $0x1  }
0x95: {  	_ =	swait.eq [sflag:s6], $0x1  }
0x96: {  	s16 =	sld [smem:$0x10];
	[sflag:s6] =	ssyncset.done $0x0  }
0x97: {  	s17 =	sld [smem:$0x11];
	[sflag:s6] =	ssyncadd.s32 $0xFFFFFFFF  }
0x98: {  	s18 =	sld [smem:$0x12];
	(tm) =	ssettm $0x1  }
0x99: {  	s8 =	sld [smem:$0x3FFB];
	_ =	sdelay $0x3  }
0x9a: {  	_ =	strace s8  }
0x9b: {  	s8 =	sld [smem:$0x3FFC];
	_ =	sdelay $0x3  }
0x9c: {  	_ =	strace s8  }
0x9d: {  	s8 =	sld [smem:$0x3FFD];
	_ =	sdelay $0x3  }
0x9e: {  	_ =	strace s8  }
0x9f: {  	_ =	strace $0x8FFFFFFF  }
0xa0: {  	s19 =	sld [smem:$0x3FDB];
	_ =	sdelay $0x1  }
0xa1: {  	s9 =	simm.s32 $_scs_section_size  }
0xa2: {  	s10 =	simm.s32 $_size__tile_overlayer_lowered;
	s11 =	simm.s32 $_tile_overlayer_lowered  }
0xa3: {  	s22 =	simm.s32 $0x1BFF;
	s21 =	sshll.u32 s11, $0x1;
	s8 =	sadd.s32 s9, s19  }
0xa4: {  	s12 =	simm.s32 $0x0;
	s20 =	sshll.u32 s10, $0x1;
	s10 =	sadd.s32 s21, s8  }
0xa5: {  	[timem:s12], [sflag:s22] =	dma.local [hbm:s10], s20  }
0xa6: {  	_ =	swait.ge [sflag:s22], s20  }
0xa7: {  	s9 =	ssub.s32 $0x0, s20;
	[sflag:s22] =	ssyncset.done $0x0  }
0xa8: {  	[sflag:s22] =	ssyncadd.s32 s9;
	_ =	sdelay $0x1  }
0xa9: {  	s23 =	simm.s32 $0x1B8B  }
0xaa: {  	_ =	swait.ge [sflag:s23], $0x1  }
0xab: {  	[sflag:s23] =	ssyncset.done $0x0  }
0xac: {  	s25 =	simm.s32 $0x1B8E;
	s24 =	sld [smem:$0x3FFE];
	[sflag:s23] =	ssyncadd.s32 $0xFFFFFFFF  }
0xad: {  	s26 =	simm.s32 $execute0_lowered;
	[smem:$0x3FD2] =	sst s25  }
0xae: {  	s10 =	sshll.u32 s26, $0x1;
	_ =	strace $0x80000046;
	[dreg:$0x1] =	wrdreg $0xFFFFFFFF  }
0xaf: {  	s28 =	simm.s32 $_size_execute0_lowered;
	s8 =	sadd.s32 s8, s10;
	[dreg:$0x0] =	wrdreg $0x0  }
0xb0: {  	s10 =	sshll.u32 s28, $0x1;
	[dreg:$0x2] =	wrdreg s8  }
0xb1: {  	[dreg:$0x3] =	wrdreg s10  }
0xb2: {  	[dreg:$0x4] =	wrdreg $0xC0  }
0xb3: {  	_ =	task [dreg:s12], $0x5FFFF  }
0xb4: {  	[dreg:$0x1] =	wrdreg $0xFFFFFFFF  }
0xb5: {  	[dreg:$0x0] =	wrdreg $0x60  }
0xb6: {  	[dreg:$0x2] =	wrdreg s15  }
0xb7: {  	[dreg:$0x3] =	wrdreg s5  }
0xb8: {  	[dreg:$0x4] =	wrdreg s4  }
0xb9: {  	[dreg:$0x5] =	wrdreg s17  }
0xba: {  	[dreg:$0x6] =	wrdreg s16  }
0xbb: {  	[dreg:$0x7] =	wrdreg s24  }
0xbc: {  	[dreg:$0x8] =	wrdreg s18  }
0xbd: {  	[dreg:$0x9] =	wrdreg $0xB7000  }
0xbe: {  	[dreg:$0xa] =	wrdreg $0x1B7000  }
0xbf: {  	[dreg:$0xb] =	wrdreg $0x9  }
0xc0: {  	_ =	task.clear_ibuf [dreg:s12], $0xCFFFF;
	_ =	strace $0x90000046  }
0xc1: {  	s29 =	simm.s32 $0x9;
	_ =	strace $0x80000048  }
0xc2: {  	_ =	swait.ge [sflag:s29], $0x1  }
0xc3: {  	[sflag:s29] =	ssyncadd.s32 $0xFFFFFFFF  }
0xc4: {  	_ =	strace $0x90000048  }
0xc5: {  	_ =	sfence  }
0xc6: {  	s30 =	sld [smem:$0x0];
	_ =	sdelay $0x2  }
0xc7: {  	s31 =	sshll.u32 s1, $0xD;
	s1 =	sshrl.u32 s1, $0x2  }
0xc8: {  	s3 =	sand.u32 $0x4000, s31;
	s1 =	sadd.s32 s1, s30  }
0xc9: {  	s0 =	sor.u32 s3, s0;
	s1 =	sshll.u32 s1, $0x11  }
0xca: {  	s0 =	sor.u32 s1, s0  }
0xcb: {  	s0 =	sadd.s32 $0x8F2B, s0  }
0xcc: {  	[sflag:s0] =	ssyncadd.remote.s32 $0x1  }
0xcd: {  	_ =	sfence.sel $0xFFFF  }
0xce: {  	[dreg:$0x0] =	wrdreg $0xFFFFFFFF;
	(pc) =	sbr.abs _section_cstart, $3  }
0xcf: {  	[dreg:$0x1] =	wrdreg $0xFFFFFFFF  }
0xd0: {  	_ =	task.clear_ibuf [dreg:s12], $0x2FFFF;
	_ =	strace $0x9FFFFFFF  }
0xd1: {  	(tm) =	ssettm $0x7FFFFFFF  }
tec
execute0_lowered:
.L_overlay_start_1:
0x0: {  	(tag) =	ssettag $0x1  }
0x1: {  	s2 =	rddreg [dreg:$0x0]  }
0x2: {  	s1 =	rddreg [dreg:$0x1]  }
0x3: {  	s0 =	rddreg [dreg:$0x2]  }
0x4: {  	s3 =	rddreg [dreg:$0x5]  }
0x5: {  	s9 =	rddreg [dreg:$0x6]  }
0x6: {  	s5 =	srdreg.scid;
	s4 =	rddreg [dreg:$0x7]  }
0x7: {  	s18 =	stileid.u32;
	s6 =	simm.s32 $0x0;
	s29 =	simm.s32 $0x5  }
0x8: {  	s30 =	simm.s32 $0x9300;
	s10 =	sand.u32 $0x1, s5;
	s5 =	rddreg [dreg:$0x8]  }
0x9: {  	s31 =	simm.s32 $0x2;
	s28 =	simm.s32 $0x3;
	[smem:$0x7FF] =	sst s6  }
0xa: {  	s3 =	sadd.s32 $0x1A00, s3;
	s24 =	sshll.u32 s18, $0x7;
	s16 =	sshll.u32 s18, $0x10  }
0xb: {  	s17 =	smul.u32 $0x30E, s18;
	s26 =	sshll.u32 s18, $0x6;
	s7 =	sshll.u32 s10, $0x4  }
0xc: {  	_ =	strace $0x80000047;
	s19 =	ssub.s32 $0x2, s10;
	s25 =	smul.u32 $0x30E0, s10  }
0xd: {  	s10 =	smul.u32 $0x120000, s10;
	s11 =	sor.u32 s18, s7;
	s8 =	sshrl.u32 s19, $0x1  }
0xe: {  	s12 =	smul.u32 $0x30E, s11;
	s14 =	ssub.s32 s19, s8;
	s15 =	sshrl.u32 s11, $0x3  }
0xf: {  	s19 =	sadd.s32 s16, s4;
	s16 =	sadd.s32 s16, s10;
	p0 =	sne.s32 s11, $0x1F  }
0x10: {  	s23 =	smul.u32 $0x12000, s15;
	[dreg:$0xd] =	wrdreg s19;
	s15 =	sadd.s32 s17, s25  }
0x11: {  	s19 =	sshll.u32 s18, $0xD;
	s16 =	sshrl.u32 s16, $0x3;
	s25 =	smax.u32 s14, $0x1  }
0x12: {  	s13 =	sadd.s32 $0x30E, s12;
	s7 =	sshrl.u32 s12, $0x5;
	s21 =	sshll.u32 s12, $0x6  }
0x13: {  	s12 =	sshrl.u32 s12, $0x1;
	s10 =	sor.u32 s19, s10;
	s17 =	sadd.s32 s19, s5  }
0x14: {  	s16 =	sadd.s32 s3, s16;
	[dreg:$0x15] =	wrdreg s25;
	s20 =	sshrl.u32 s13, $0x5  }
0x15: {  	s13 =	sand.u32 $0x1FF800, s21;
	s12 =	sand.u32 $0x3FF0, s12;
	[dreg:$0xe] =	wrdreg s17  }
0x16: {  	s10 =	sadd.s32 $0x100000, s10;
	[dreg:$0xf] =	wrdreg s16;
	s13 =	sadd.s32 s2, s13  }
0x17: {  	s16 =	sshrl.u32 s15, $0x5;
	s22 =	sadd.s32 s1, s12;
	[dreg:$0xa] =	wrdreg s13  }
0x18: {  	s8 =	smin.u32 s20, $0x30D;
	s12 =	sadd.s32 s0, s12;
	[dreg:$0xb] =	wrdreg s22  }
0x19: {  	s10 =	sshrl.u32 s10, $0x3;
	s21 =	sshll.u32 s16, $0xB;
	[dreg:$0xc] =	wrdreg s12  }
0x1a: {  	s12 =	sand.u32 $0x380, s24;
	s13 =	sor.u32 $0x1C05, s26;
	s3 =	sadd.s32 s3, s10  }
0x1b: {  	s22 =	sadd.s32 $0x186800, s2;
	s2 =	sadd.s32 s21, s2;
	s24 =	sshll.u32 s16, $0x4  }
0x1c: {  	p1 =	sge.u32 s7, s8;
	s12 =	sor.u32 s12, s23;
	[dreg:$0x10] =	wrdreg s3  }
0x1d: {  	[dreg:$0x12] =	wrdreg s22;
	s23 =	sadd.s32 $0x30D0, s1;
	s1 =	sadd.s32 s24, s1  }
0x1e: {  	s20 =	sshrl.u32 s12, $0x3;
	[dreg:$0x13] =	wrdreg s23;
	s14 =	sadd.s32 $0x10, s1  }
.Ltmp0:
0x1f: {  	s12 =	sadd.s32 $0x800, s2;
	s2 =	simm.s32 $0x80;
	(pc) =	sbr.rel .LBB2_1-.Ltmp0, $4  }
0x20: {  	s1 =	simm.s32 $0x4000;
	s3 =	sadd.s32 s9, s20;
	s9 =	simm.s32 $0x0  }
0x21: {  	[dreg:$0x11] =	wrdreg s3;
	s3 =	sadd.s32 s24, s0;
	s0 =	sadd.s32 $0x30D0, s0  }
0x22: {  	[dreg:$0x14] =	wrdreg s0;
	s26 =	sadd.s32 $0x10, s3;
	s3 =	simm.s32 $0x9080  }
0x23: {  	v0 =	vimm.f32 $1.000000000e+00;
	s0 =	simm.s32 $0x4;
	[dreg:$0x16] =	wrdreg s26;
	s26 =	simm.s32 $0x9180  }
.LBB2_5:
0x24: {  	_ =	swait.ge [sflag:s28], $0x4000  }
0x25: {  	[sflag:s28] =	ssyncset.done $0x0  }
0x26: {  	[sflag:s28] =	ssyncadd.s32 $0xFFFFC000  }
0x27: {  	_ =	swait.ge [sflag:s28], $0x4000  }
0x28: {  	[sflag:s28] =	ssyncset.done $0x0  }
0x29: {  	[sflag:s28] =	ssyncadd.s32 $0xFFFFC000  }
0x2a: {  	_ =	swait.ge [sflag:s0], $0x4000  }
0x2b: {  	[sflag:s0] =	ssyncset.done $0x0  }
0x2c: {  	[sflag:s0] =	ssyncadd.s32 $0xFFFFC000  }
0x2d: {  	_ =	swait.ge [sflag:s0], $0x4000  }
0x2e: {  	s15 =	simm.s32 @!p0 $0x0;
	[sflag:s0] =	ssyncset.done $0x0  }
0x2f: {  	s17 =	simm.s32 @!p0 $0x8000;
	s18 =	rddreg [dreg:$0x12];
	[sflag:s0] =	ssyncadd.s32 $0xFFFFC000  }
0x30: {  	[tilespmem:s17], [sflag:$0x5] =	stream.linear.gather @!p0 [hbm4b:s18+s15], $0x1000, $0x38;
	[tilespmem:$0x1D700] =	vst v63  }
0x31: {  	s18 =	simm.s32 @!p0 $0x5  }
0x32: {  	_ =	swait.ge @!p0 [sflag:s18], $0x1000  }
0x33: {  	[sflag:s18] =	ssyncset.done @!p0 $0x0  }
0x34: {  	s19 =	simm.s32 @!p0 $0x9200;
	s20 =	rddreg [dreg:$0x13];
	[sflag:s18] =	ssyncadd.s32 @!p0 $0xFFFFF000  }
0x35: {  	[tilespmem:s19], [sflag:$0x5] =	stream.linear.gather @!p0 [hbm4b:s20+s15], $0x20, $0x38;
	[tilespmem:$0x1D700] =	vst v63  }
0x36: {  	_ =	swait.ge @!p0 [sflag:s18], $0x20  }
0x37: {  	[sflag:s18] =	ssyncset.done @!p0 $0x0  }
0x38: {  	s20 =	simm.s32 @!p0 $0x9280;
	s21 =	rddreg [dreg:$0x14];
	[sflag:s18] =	ssyncadd.s32 @!p0 $0xFFFFFFE0  }
0x39: {  	[tilespmem:s20], [sflag:$0x5] =	stream.linear.gather @!p0 [hbm4b:s21+s15], $0x20, $0x38;
	[tilespmem:$0x1D700] =	vst v63  }
0x3a: {  	_ =	swait.ge @!p0 [sflag:s18], $0x20  }
0x3b: {  	[sflag:s18] =	ssyncset.done @!p0 $0x0  }
0x3c: {  	s15 =	simm.s32 @!p0 $0x20;
	[sflag:s18] =	ssyncadd.s32 @!p0 $0xFFFFFFE0  }
0x3d: {  	[spmem:s4] =	stream.indirect.scatter.add.f32 @!p0 [tilespmem:s17], [sflag:$0x5], $0x80, s19, s15, $0xb8;
	[tilespmem:$0x1D700] =	vst v63  }
0x3e: {  	_ =	swait.ge @!p0 [sflag:s18], $0x1000  }
0x3f: {  	[sflag:s18] =	ssyncset.done @!p0 $0x0  }
0x40: {  	[sflag:s18] =	ssyncadd.s32 @!p0 $0xFFFFF000  }
0x41: {  	[spmem:s5] =	stream.indirect.scatter.add.f32 @!p0 [tilespmem:s17], [sflag:$0x5], $0x80, s20, s15, $0xb8;
	[tilespmem:$0x1D700] =	vst v63  }
0x42: {  	_ =	swait.ge @!p0 [sflag:s18], $0x1000  }
0x43: {  	[sflag:s18] =	ssyncset.done @!p0 $0x0  }
0x44: {  	[sflag:s18] =	ssyncadd.s32 @!p0 $0xFFFFF000  }
0x45: {  	v1 =	vld @!p0 [tilespmem:$0x9200];
	_ =	sdelay $0x6  }
0x46: {  	v2 =	vimm.f32 @!p0 $1.000000000e+00;
	s15 =	simm.s32 @!p0 $0x9300  }
0x47: {  	[tilespmem:v1+s15+$0x0] =	vst.idx.add.f32.msk @!p0 $0xffff, v2  }
0x48: {  	v1 =	vld @!p0 [tilespmem:$0x9280];
	_ =	sdelay $0x4  }
0x49: {  	v1 =	vadd.s32 @!p0 $0x2000, v1;
	_ =	sdelay $0x4  }
0x4a: {  	[tilespmem:v1+s15+$0x0] =	vst.idx.add.f32.msk @!p0 $0xffff, v2  }
0x4b: {  	v1 =	vld @!p0 [tilespmem:$0x9210];
	_ =	sdelay $0x7  }
0x4c: {  	[tilespmem:v1+s15+$0x0] =	vst.idx.add.f32.msk @!p0 $0xffff, v2  }
0x4d: {  	v1 =	vld @!p0 [tilespmem:$0x9290];
	_ =	sdelay $0x4  }
0x4e: {  	v1 =	vadd.s32 @!p0 $0x2000, v1;
	_ =	sdelay $0x4  }
0x4f: {  	[tilespmem:v1+s15+$0x0] =	vst.idx.add.f32.msk @!p0 $0xffff, v2  }
0x50: {  	[bflag:$0x0] =	sbarrier.arrive $0xFFFF  }
0x51: {  	s21 =	rddreg [dreg:$0xf]  }
0x52: {  	[hbm:s21], [sflag:s13] =	dma.local [spmem:s10], $0x2000  }
0x53: {  	_ =	swait.ge [sflag:s29], $0x2000  }
0x54: {  	[sflag:s29] =	ssyncset.done $0x0  }
0x55: {  	s22 =	rddreg [dreg:$0x10];
	[sflag:s29] =	ssyncadd.s32 $0xFFFFE000  }
0x56: {  	[hbm:s22], [sflag:s13] =	dma.local [spmem:s11], $0x400  }
0x57: {  	_ =	swait.ge [sflag:s29], $0x400  }
0x58: {  	[sflag:s29] =	ssyncset.done $0x0  }
0x59: {  	s24 =	simm.s32 $0x400;
	s23 =	rddreg [dreg:$0x11];
	[sflag:s29] =	ssyncadd.s32 $0xFFFFFC00  }
0x5a: {  	[hbm4b:s23+s2] =	stream.strided.scatter [tilespmem:s30], [sflag:$0x5], $0x2400, s24, s2, $0x38;
	[tilespmem:$0x1D700] =	vst v63  }
0x5b: {  	_ =	swait.ge [sflag:s29], $0x2400  }
0x5c: {  	s9 =	sadd.s32 $0x1, s9;
	s25 =	rddreg [dreg:$0x15]  }
0x5d: {  	p2 =	sne.s32 s9, s25  }
.Ltmp1:
0x5e: {  	_ = 	snop;
	(pc) =	sbr.rel @!p2 .LBB2_6-.Ltmp1, $3  }
0x5f: {  	_ =	sdelay $0x1  }
0x60: {  	[sflag:s29] =	ssyncset.done $0x0  }
0x61: {  	[sflag:s29] =	ssyncadd.s32 $0xFFFFDC00  }
.LBB2_1:
0x62: {  	s10 =	rddreg [dreg:$0xa]  }
0x63: {  	s20 =	rddreg [dreg:$0xb]  }
0x64: {  	s21 =	rddreg [dreg:$0xc]  }
0x65: {  	[tilespmem:s6], [sflag:$0x1] =	stream.linear.gather [hbm4b:s10+s6], $0x4000, $0x38;
	[tilespmem:$0x1D700] =	vst v63  }
0x66: {  	s11 =	simm.s32 $0x9000;
	s23 =	rddreg [dreg:$0xd]  }
0x67: {  	[tilespmem:s11], [sflag:$0x1] =	stream.linear.gather [hbm4b:s20+s6], $0x80, $0x38;
	[tilespmem:$0x1D700] =	vst v63  }
0x68: {  	s22 =	simm.s32 $0x9100;
	s15 =	rddreg [dreg:$0x3];
	s10 =	sshrl.u32 s23, $0x3  }
0x69: {  	[tilespmem:s22], [sflag:$0x1] =	stream.linear.gather [hbm4b:s21+s6], $0x80, $0x38;
	[tilespmem:$0x1D700] =	vst v63  }
0x6a: {  	[spmem:s10], [sflag:s13] =	dma.local [hbm:s15], $0x2000  }
0x6b: {  	_ =	swait.ge [sflag:s29], $0x2000  }
0x6c: {  	[sflag:s29] =	ssyncset.done $0x0;
	s24 =	rddreg [dreg:$0xe]  }
0x6d: {  	[sflag:s29] =	ssyncadd.s32 $0xFFFFE000;
	s11 =	sshrl.u32 s24, $0x3  }
0x6e: {  	[spmem:s11], [sflag:s13] =	dma.local [hbm:s15], $0x400  }
0x6f: {  	_ =	swait.ge [sflag:s29], $0x400  }
0x70: {  	[sflag:s29] =	ssyncset.done $0x0  }
0x71: {  	[sflag:s29] =	ssyncadd.s32 $0xFFFFFC00  }
0x72: {  	s25 =	rddreg [dreg:$0x4]  }
0x73: {  	[tilespmem:s30], [sflag:$0x5] =	stream.linear.gather [hbm4b:s25+s6], $0x2400, $0x38;
	[tilespmem:$0x1D700] =	vst v63  }
.Ltmp2:
0x74: {  	_ =	swait.ge [sflag:s29], $0x2400;
	(pc) =	sbr.rel @p1 .LBB2_5-.Ltmp2, $4  }
.Ltmp3:
0x75: {  	[sflag:s29] =	ssyncset.done $0x0;
	(pc) =	sbr.rel @!p1 .LBB2_2-.Ltmp3, $4  }
0x76: {  	[sflag:s29] =	ssyncadd.s32 $0xFFFFDC00  }
0x77: {  	s17 =	simm.s32 $0x0;
	[bflag:$0x0] =	sbarrier.arrive $0xFFFF  }
0x78: {  	s24 =	smov.u32 s14;
	s25 =	smov.u32 s12;
	s23 =	rddreg [dreg:$0x16]  }
0x79: {  	_ = 	snop  }
.LBB2_4:
0x7a: {  	s17 =	sadd.s32 $0x1, s17  }
0x7b: {  	s15 =	sadd.s32 s17, s16  }
0x7c: {  	p2 =	slt.u32 s15, s8  }
.Ltmp4:
0x7d: {  	_ = 	snop;
	(pc) =	sbr.rel @!p2 .LBB2_5-.Ltmp4, $2  }
0x7e: {  	_ =	sdelay $0x2  }
0x7f: {  	s23 =	sadd.s32 $0x10, s23;
	s24 =	sadd.s32 $0x10, s24;
	s25 =	sadd.s32 $0x800, s25  }
.LBB2_2:
0x80: {  	s18 =	sadd.s32 s17, s16;
	s20 =	sand.u32 $0x1, s17  }
0x81: {  	p2 =	seq.s32 s20, $0x1;
	s19 =	sadd.s32 $0x1, s18  }
0x82: {  	p4 =	sge.u32 @!p2 s19, s8  }
0x83: {  	p3 =	por p4, p2  }
0x84: {  	p5 =	sle.u32 @!p3 s18, s7  }
0x85: {  	p4 =	por @!p2 p5, p4  }
0x86: {  	p4 =	por p4, p2  }
0x87: {  	s21 =	simm.s32 @!p4 $0x4  }
0x88: {  	_ =	swait.ge @!p4 [sflag:s21], $0x4000  }
0x89: {  	[sflag:s21] =	ssyncset.done @!p4 $0x0  }
0x8a: {  	[sflag:s21] =	ssyncadd.s32 @!p4 $0xFFFFC000  }
0x8b: {  	_ =	swait.ge @!p4 [sflag:s21], $0x4000  }
0x8c: {  	[sflag:s21] =	ssyncset.done @!p4 $0x0  }
0x8d: {  	s22 =	simm.s32 @!p3 $0x4000;
	[sflag:s21] =	ssyncadd.s32 @!p4 $0xFFFFC000;
	s21 =	simm.s32 @!p3 $0x0  }
0x8e: {  	[tilespmem:s22], [sflag:$0x2] =	stream.linear.gather @!p3 [hbm4b:s25+s21], $0x4000, $0x38;
	[tilespmem:$0x1D700] =	vst v63  }
0x8f: {  	s22 =	simm.s32 @!p3 $0x9080  }
0x90: {  	[tilespmem:s22], [sflag:$0x2] =	stream.linear.gather @!p3 [hbm4b:s24+s21], $0x80, $0x38;
	[tilespmem:$0x1D700] =	vst v63  }
0x91: {  	s22 =	simm.s32 @!p3 $0x9180  }
0x92: {  	[tilespmem:s22], [sflag:$0x2] =	stream.linear.gather @!p3 [hbm4b:s23+s21], $0x80, $0x38;
	[tilespmem:$0x1D700] =	vst v63  }
0x93: {  	s21 =	simm.s32 @!p2 $0x1  }
0x94: {  	_ =	swait.ge @!p2 [sflag:s21], $0x4000  }
0x95: {  	[sflag:s21] =	ssyncset.done @!p2 $0x0  }
0x96: {  	[sflag:s21] =	ssyncadd.s32 @!p2 $0xFFFFC000  }
0x97: {  	_ =	swait.ge @!p2 [sflag:s21], $0x80  }
0x98: {  	[sflag:s21] =	ssyncset.done @!p2 $0x0  }
0x99: {  	[sflag:s21] =	ssyncadd.s32 @!p2 $0xFFFFFF80  }
0x9a: {  	_ =	swait.ge @!p2 [sflag:s21], $0x80  }
0x9b: {  	[sflag:s21] =	ssyncset.done @!p2 $0x0  }
0x9c: {  	[sflag:s21] =	ssyncadd.s32 @!p2 $0xFFFFFF80  }
0x9d: {  	v1 =	vld @!p2 [tilespmem:$0x9000];
	_ =	sdelay $0x6  }
0x9e: {  	v2 =	vimm.f32 @!p2 $1.000000000e+00;
	s21 =	simm.s32 @!p2 $0x9300  }
0x9f: {  	[tilespmem:v1+s21+$0x0] =	vst.idx.add.f32.msk @!p2 $0xffff, v2  }
0xa0: {  	v1 =	vld @!p2 [tilespmem:$0x9100];
	_ =	sdelay $0x4  }
0xa1: {  	v1 =	vadd.s32 @!p2 $0x2000, v1;
	_ =	sdelay $0x4  }
0xa2: {  	[tilespmem:v1+s21+$0x0] =	vst.idx.add.f32.msk @!p2 $0xffff, v2  }
0xa3: {  	v1 =	vld @!p2 [tilespmem:$0x9010];
	_ =	sdelay $0x7  }
0xa4: {  	[tilespmem:v1+s21+$0x0] =	vst.idx.add.f32.msk @!p2 $0xffff, v2  }
0xa5: {  	v1 =	vld @!p2 [tilespmem:$0x9110];
	_ =	sdelay $0x4  }
0xa6: {  	v1 =	vadd.s32 @!p2 $0x2000, v1;
	_ =	sdelay $0x4  }
0xa7: {  	[tilespmem:v1+s21+$0x0] =	vst.idx.add.f32.msk @!p2 $0xffff, v2  }
0xa8: {  	v1 =	vld @!p2 [tilespmem:$0x9020];
	_ =	sdelay $0x7  }
0xa9: {  	[tilespmem:v1+s21+$0x0] =	vst.idx.add.f32.msk @!p2 $0xffff, v2  }
0xaa: {  	v1 =	vld @!p2 [tilespmem:$0x9120];
	_ =	sdelay $0x4  }
0xab: {  	v1 =	vadd.s32 @!p2 $0x2000, v1;
	_ =	sdelay $0x4  }
0xac: {  	[tilespmem:v1+s21+$0x0] =	vst.idx.add.f32.msk @!p2 $0xffff, v2  }
0xad: {  	v1 =	vld @!p2 [tilespmem:$0x9030];
	_ =	sdelay $0x7  }
0xae: {  	[tilespmem:v1+s21+$0x0] =	vst.idx.add.f32.msk @!p2 $0xffff, v2  }
0xaf: {  	v1 =	vld @!p2 [tilespmem:$0x9130];
	_ =	sdelay $0x4  }
0xb0: {  	v1 =	vadd.s32 @!p2 $0x2000, v1;
	_ =	sdelay $0x4  }
0xb1: {  	[tilespmem:v1+s21+$0x0] =	vst.idx.add.f32.msk @!p2 $0xffff, v2  }
0xb2: {  	v1 =	vld @!p2 [tilespmem:$0x9040];
	_ =	sdelay $0x7  }
0xb3: {  	[tilespmem:v1+s21+$0x0] =	vst.idx.add.f32.msk @!p2 $0xffff, v2  }
0xb4: {  	v1 =	vld @!p2 [tilespmem:$0x9140];
	_ =	sdelay $0x4  }
0xb5: {  	v1 =	vadd.s32 @!p2 $0x2000, v1;
	_ =	sdelay $0x4  }
0xb6: {  	[tilespmem:v1+s21+$0x0] =	vst.idx.add.f32.msk @!p2 $0xffff, v2  }
0xb7: {  	v1 =	vld @!p2 [tilespmem:$0x9050];
	_ =	sdelay $0x7  }
0xb8: {  	[tilespmem:v1+s21+$0x0] =	vst.idx.add.f32.msk @!p2 $0xffff, v2  }
0xb9: {  	v1 =	vld @!p2 [tilespmem:$0x9150];
	_ =	sdelay $0x4  }
0xba: {  	v1 =	vadd.s32 @!p2 $0x2000, v1;
	_ =	sdelay $0x4  }
0xbb: {  	[tilespmem:v1+s21+$0x0] =	vst.idx.add.f32.msk @!p2 $0xffff, v2  }
0xbc: {  	v1 =	vld @!p2 [tilespmem:$0x9060];
	_ =	sdelay $0x7  }
0xbd: {  	[tilespmem:v1+s21+$0x0] =	vst.idx.add.f32.msk @!p2 $0xffff, v2  }
0xbe: {  	v1 =	vld @!p2 [tilespmem:$0x9160];
	_ =	sdelay $0x4  }
0xbf: {  	v1 =	vadd.s32 @!p2 $0x2000, v1;
	_ =	sdelay $0x4  }
0xc0: {  	[tilespmem:v1+s21+$0x0] =	vst.idx.add.f32.msk @!p2 $0xffff, v2  }
0xc1: {  	v1 =	vld @!p2 [tilespmem:$0x9070];
	_ =	sdelay $0x7  }
0xc2: {  	[tilespmem:v1+s21+$0x0] =	vst.idx.add.f32.msk @!p2 $0xffff, v2  }
0xc3: {  	v1 =	vld @!p2 [tilespmem:$0x9170];
	_ =	sdelay $0x4  }
0xc4: {  	v1 =	vadd.s32 @!p2 $0x2000, v1;
	_ =	sdelay $0x4  }
0xc5: {  	s15 =	simm.s32 @!p2 $0x0;
	s22 =	simm.s32 @!p2 $0x9000;
	[tilespmem:v1+s21+$0x0] =	vst.idx.add.f32.msk @!p2 $0xffff, v2;
	s21 =	simm.s32 @!p2 $0x80  }
0xc6: {  	[spmem:s4] =	stream.indirect.scatter.add.f32 @!p2 [tilespmem:s15], [sflag:$0x3], $0x80, s22, s21, $0xb8;
	[tilespmem:$0x1D700] =	vst v63  }
0xc7: {  	p3 =	seq.s32 @!p2 s20, $0x0;
	s22 =	simm.s32 @!p2 $0x9100  }
0xc8: {  	[spmem:s5] =	stream.indirect.scatter.add.f32 @!p2 [tilespmem:s15], [sflag:$0x3], $0x80, s22, s21, $0xb8;
	[tilespmem:$0x1D700] =	vst v63  }
0xc9: {  	p2 =	por p2, !p3  }
.Ltmp5:
0xca: {  	_ = 	snop;
	(pc) =	sbr.rel @!p2 .LBB2_4-.Ltmp5, $1  }
0xcb: {  	_ =	sdelay $0x3  }
0xcc: {  	p2 =	sge.u32 s19, s8  }
0xcd: {  	p3 =	sle.u32 @!p2 s18, s7  }
0xce: {  	p3 =	por p3, p2  }
0xcf: {  	s15 =	simm.s32 @!p3 $0x3  }
0xd0: {  	_ =	swait.ge @!p3 [sflag:s15], $0x4000  }
0xd1: {  	[sflag:s15] =	ssyncset.done @!p3 $0x0  }
0xd2: {  	[sflag:s15] =	ssyncadd.s32 @!p3 $0xFFFFC000  }
0xd3: {  	_ =	swait.ge @!p3 [sflag:s15], $0x4000  }
0xd4: {  	[sflag:s15] =	ssyncset.done @!p3 $0x0  }
0xd5: {  	[sflag:s15] =	ssyncadd.s32 @!p3 $0xFFFFC000;
	s15 =	simm.s32 @!p2 $0x0  }
0xd6: {  	[tilespmem:s15], [sflag:$0x1] =	stream.linear.gather @!p2 [hbm4b:s25+s15], $0x4000, $0x38;
	[tilespmem:$0x1D700] =	vst v63  }
0xd7: {  	s18 =	simm.s32 @!p2 $0x9000  }
0xd8: {  	[tilespmem:s18], [sflag:$0x1] =	stream.linear.gather @!p2 [hbm4b:s24+s15], $0x80, $0x38;
	[tilespmem:$0x1D700] =	vst v63  }
0xd9: {  	s18 =	simm.s32 @!p2 $0x9100  }
0xda: {  	[tilespmem:s18], [sflag:$0x1] =	stream.linear.gather @!p2 [hbm4b:s23+s15], $0x80, $0x38;
	[tilespmem:$0x1D700] =	vst v63  }
0xdb: {  	_ =	swait.ge [sflag:s31], $0x4000  }
0xdc: {  	[sflag:s31] =	ssyncset.done $0x0  }
0xdd: {  	[sflag:s31] =	ssyncadd.s32 $0xFFFFC000  }
0xde: {  	_ =	swait.ge [sflag:s31], $0x80  }
0xdf: {  	[sflag:s31] =	ssyncset.done $0x0  }
0xe0: {  	[sflag:s31] =	ssyncadd.s32 $0xFFFFFF80  }
0xe1: {  	_ =	swait.ge [sflag:s31], $0x80  }
0xe2: {  	[sflag:s31] =	ssyncset.done $0x0  }
0xe3: {  	[sflag:s31] =	ssyncadd.s32 $0xFFFFFF80  }
0xe4: {  	v1 =	vld [tilespmem:$0x9080];
	_ =	sdelay $0x7  }
0xe5: {  	[tilespmem:v1+s30+$0x0] =	vst.idx.add.f32.msk $0xffff, v0  }
0xe6: {  	v1 =	vld [tilespmem:$0x9180];
	_ =	sdelay $0x4  }
0xe7: {  	v1 =	vadd.s32 $0x2000, v1;
	_ =	sdelay $0x4  }
0xe8: {  	[tilespmem:v1+s30+$0x0] =	vst.idx.add.f32.msk $0xffff, v0  }
0xe9: {  	v1 =	vld [tilespmem:$0x9090];
	_ =	sdelay $0x7  }
0xea: {  	[tilespmem:v1+s30+$0x0] =	vst.idx.add.f32.msk $0xffff, v0  }
0xeb: {  	v1 =	vld [tilespmem:$0x9190];
	_ =	sdelay $0x4  }
0xec: {  	v1 =	vadd.s32 $0x2000, v1;
	_ =	sdelay $0x4  }
0xed: {  	[tilespmem:v1+s30+$0x0] =	vst.idx.add.f32.msk $0xffff, v0  }
0xee: {  	v1 =	vld [tilespmem:$0x90A0];
	_ =	sdelay $0x7  }
0xef: {  	[tilespmem:v1+s30+$0x0] =	vst.idx.add.f32.msk $0xffff, v0  }
0xf0: {  	v1 =	vld [tilespmem:$0x91A0];
	_ =	sdelay $0x4  }
0xf1: {  	v1 =	vadd.s32 $0x2000, v1;
	_ =	sdelay $0x4  }
0xf2: {  	[tilespmem:v1+s30+$0x0] =	vst.idx.add.f32.msk $0xffff, v0  }
0xf3: {  	v1 =	vld [tilespmem:$0x90B0];
	_ =	sdelay $0x7  }
0xf4: {  	[tilespmem:v1+s30+$0x0] =	vst.idx.add.f32.msk $0xffff, v0  }
0xf5: {  	v1 =	vld [tilespmem:$0x91B0];
	_ =	sdelay $0x4  }
0xf6: {  	v1 =	vadd.s32 $0x2000, v1;
	_ =	sdelay $0x4  }
0xf7: {  	[tilespmem:v1+s30+$0x0] =	vst.idx.add.f32.msk $0xffff, v0  }
0xf8: {  	v1 =	vld [tilespmem:$0x90C0];
	_ =	sdelay $0x7  }
0xf9: {  	[tilespmem:v1+s30+$0x0] =	vst.idx.add.f32.msk $0xffff, v0  }
0xfa: {  	v1 =	vld [tilespmem:$0x91C0];
	_ =	sdelay $0x4  }
0xfb: {  	v1 =	vadd.s32 $0x2000, v1;
	_ =	sdelay $0x4  }
0xfc: {  	[tilespmem:v1+s30+$0x0] =	vst.idx.add.f32.msk $0xffff, v0  }
0xfd: {  	v1 =	vld [tilespmem:$0x90D0];
	_ =	sdelay $0x7  }
0xfe: {  	[tilespmem:v1+s30+$0x0] =	vst.idx.add.f32.msk $0xffff, v0  }
0xff: {  	v1 =	vld [tilespmem:$0x91D0];
	_ =	sdelay $0x4  }
0x100: {  	v1 =	vadd.s32 $0x2000, v1;
	_ =	sdelay $0x4  }
0x101: {  	[tilespmem:v1+s30+$0x0] =	vst.idx.add.f32.msk $0xffff, v0  }
0x102: {  	v1 =	vld [tilespmem:$0x90E0];
	_ =	sdelay $0x7  }
0x103: {  	[tilespmem:v1+s30+$0x0] =	vst.idx.add.f32.msk $0xffff, v0  }
0x104: {  	v1 =	vld [tilespmem:$0x91E0];
	_ =	sdelay $0x4  }
0x105: {  	v1 =	vadd.s32 $0x2000, v1;
	_ =	sdelay $0x4  }
0x106: {  	[tilespmem:v1+s30+$0x0] =	vst.idx.add.f32.msk $0xffff, v0  }
0x107: {  	v1 =	vld [tilespmem:$0x90F0];
	_ =	sdelay $0x7  }
0x108: {  	[tilespmem:v1+s30+$0x0] =	vst.idx.add.f32.msk $0xffff, v0  }
0x109: {  	v1 =	vld [tilespmem:$0x91F0];
	_ =	sdelay $0x4  }
0x10a: {  	v1 =	vadd.s32 $0x2000, v1;
	_ =	sdelay $0x3  }
.Ltmp6:
0x10b: {  	_ = 	snop;
	(pc) =	sbr.rel .LBB2_4-.Ltmp6, $4  }
0x10c: {  	[tilespmem:v1+s30+$0x0] =	vst.idx.add.f32.msk $0xffff, v0  }
0x10d: {  	[spmem:s4] =	stream.indirect.scatter.add.f32 [tilespmem:s1], [sflag:$0x4], $0x80, s3, s2, $0xb8;
	[tilespmem:$0x1D700] =	vst v63  }
0x10e: {  	_ = 	snop  }
0x10f: {  	[spmem:s5] =	stream.indirect.scatter.add.f32 [tilespmem:s1], [sflag:$0x4], $0x80, s26, s2, $0xb8;
	[tilespmem:$0x1D700] =	vst v63  }
.LBB2_6:
0x110: {  	_ =	sfence.sel $0x180000  }
0x111: {  	[bflag:$0x0] =	sbarrier.arrive $0xFFFF  }
0x112: {  	_ =	strace $0x90000047  }
0x113: {  	s0 =	stileid.u32;
	[bflag:$0x2] =	sbarrier.arrive $0xFFFF  }
0x114: {  	p0 =	sne.s32 s0, $0x0;
	s0 =	rddreg [dreg:$0x9]  }
0x115: {  	s0 =	sadd.s32 @!p0 $0x100000, s0  }
0x116: {  	[sflag:s0] =	ssyncadd.tile.s32 @!p0 $0x1;
	_ =	shalt  }
.Lfunc_end2:
_tile_overlayer_lowered:
.L_overlay_start_2:
0x117: {  	(tag) =	ssettag $0x2  }
0x118: {  	s0 =	rddreg [dreg:$0x0];
	s2 =	stileid.u32  }
0x119: {  	s1 =	rddreg [dreg:$0x1];
	p0 =	sne.s32 s2, $0x0  }
0x11a: {  	s3 =	rddreg [dreg:$0x2];
	[bflag:$0x3] =	sbarrier.arrive $0xFFFF;
	s2 =	simm.s32 @!p0 $0x1C05  }
0x11b: {  	[timem:s3], [sflag:s2] =	dma.local @!p0 [hbm:s0], s1  }
0x11c: {  	s0 =	simm.s32 @!p0 $0x5  }
0x11d: {  	_ =	swait.ge @!p0 [sflag:s0], s1  }
0x11e: {  	s1 =	ssub.s32 @!p0 $0x0, s1;
	[sflag:s0] =	ssyncset.done @!p0 $0x0  }
0x11f: {  	[sflag:s0] =	ssyncadd.s32 @!p0 s1  }
0x120: {  	[bflag:$0x3] =	sbarrier.arrive $0xFFFF  }
0x121: {  	_ =	shalt  }

</sc_bundles>
